<compile_context>
chip_gen: v7x
topology: tpu7x:2x2x1
jax: 0.10.2.dev20260603
libtpu: 0.0.44.dev20260713+nightly
codegen_flags: <defaults>
</compile_context>

<pallas_src>
import dataclasses

import jax
import jax.numpy as jnp
from jax.experimental import pallas as pl
from jax.experimental.pallas import tpu as pltpu
from jax.experimental.pallas import tpu_sc as plsc
from jax.experimental.layout import Format, Layout, with_layout_constraint

_SC_COMPILER_PARAMS = pltpu.CompilerParams()
if "needs_layout_passes" in pltpu.CompilerParams.__dataclass_fields__:
    _SC_COMPILER_PARAMS = dataclasses.replace(
        _SC_COMPILER_PARAMS, needs_layout_passes=False)

B = 16384
F = 26
V = 100000
D = 16
NC = 13
H1 = 128
H2 = 64
OUT = 1
EPS = 1e-5

GW = 128
BB = 1024


def _sc_gather(tables_flat, idx_flat):
    mesh = plsc.VectorSubcoreMesh(core_axis_name="core", subcore_axis_name="subcore")
    n = B * F
    NW = 32
    SUB = 128
    K = 4
    W = K * SUB
    NIT = 8 * n // NW // W

    @pl.kernel(
        out_type=jax.ShapeDtypeStruct((8 * n, D), jnp.float32),
        mesh=mesh,
        scratch_types=[
            pltpu.VMEM((W,), jnp.int32),
            pltpu.SemaphoreType.DMA,
            pltpu.SemaphoreType.DMA,
        ] + [pltpu.VMEM((SUB, D), jnp.float32) for _ in range(K)],
        compiler_params=_SC_COMPILER_PARAMS,
    )
    def gather_kernel(tab_hbm, idx_hbm, out_hbm, idx_v, sem, osem, *rows):
        w = jax.lax.axis_index("subcore") * 2 + jax.lax.axis_index("core")
        base_w = w * NIT

        @pl.loop(0, NIT)
        def _(g):
            slot = (base_w + g) * W
            pltpu.sync_copy(idx_hbm.at[pl.ds(slot, W)], idx_v)
            gathers = [
                pltpu.async_copy(
                    tab_hbm.at[idx_v.at[pl.ds(SUB * t, SUB)]], rows[t], sem)
                for t in range(K)
            ]
            outs = []
            for t in range(K):
                gathers[t].wait()
                outs.append(pltpu.async_copy(
                    rows[t], out_hbm.at[pl.ds(slot + SUB * t, SUB)], osem))
            for o in outs:
                o.wait()

    raw = gather_kernel(tables_flat, jnp.repeat(idx_flat, 8))
    return raw.reshape(8 * n // SUB, SUB, D)[:, :SUB // 8].reshape(n, D)


def _mlp_body(xc_ref, xn_ref, w1e_ref, w1c_ref, b1_ref, w2_ref, b2_ref,
              w3_ref, b3_ref, out_ref):
    h = (
        jnp.dot(xc_ref[...], w1e_ref[...], preferred_element_type=jnp.float32)
        + jnp.dot(xn_ref[...], w1c_ref[...], preferred_element_type=jnp.float32)
        + b1_ref[...]
    )
    h = jnp.maximum(h, 0.0)
    h = jnp.dot(h, w2_ref[...], preferred_element_type=jnp.float32) + b2_ref[...]
    h = jnp.maximum(h, 0.0)
    out_ref[...] = (
        jnp.dot(h, w3_ref[...], preferred_element_type=jnp.float32) + b3_ref[...]
    )


def _mlp(xc, x_cont, w1e, w1c, b1f, w2f, b2f, w3f, b3f):
    n_emb = F * D
    grid = (B // BB,)
    full = lambda i: (0, 0)
    return pl.pallas_call(
        _mlp_body,
        grid=grid,
        in_specs=[
            pl.BlockSpec((BB, n_emb), lambda i: (i, 0)),
            pl.BlockSpec((BB, NC), lambda i: (i, 0)),
            pl.BlockSpec((n_emb, H1), full),
            pl.BlockSpec((NC, H1), full),
            pl.BlockSpec((1, H1), full),
            pl.BlockSpec((H1, H2), full),
            pl.BlockSpec((1, H2), full),
            pl.BlockSpec((H2, OUT), full),
            pl.BlockSpec((1, OUT), full),
        ],
        out_specs=pl.BlockSpec((BB, OUT), lambda i: (i, 0)),
        out_shape=jax.ShapeDtypeStruct((B, OUT), jnp.float32),
    )(xc, x_cont, w1e, w1c, b1f, w2f, b2f, w3f, b3f)


def kernel(x_cat, x_cont, tables, gamma_c, beta_c,
           W1, b1, g1, bb1, W2, b2, g2, bb2, W3, b3):
    inv = 1.0 / jnp.sqrt(jnp.float32(1.0 + EPS))
    n_emb = F * D

    w1e = W1[:n_emb]
    w1c = (gamma_c * inv)[:, None] * W1[n_emb:]
    b1f = (b1 + beta_c @ W1[n_emb:])[None, :]
    w2f = (g1 * inv)[:, None] * W2
    b2f = (b2 + bb1 @ W2)[None, :]
    w3f = (g2 * inv)[:, None] * W3
    b3f = (b3 + bb2 @ W3)[None, :]

    offs = (jnp.arange(F, dtype=jnp.int32) * V)[None, :]
    idx_flat = (x_cat.astype(jnp.int32) + offs).reshape(-1)

    tables_flat = with_layout_constraint(
        tables.reshape(F * V, D),
        Layout(major_to_minor=(0, 1), tiling=((16,),)),
    )
    xc = _sc_gather(tables_flat, idx_flat * 8).reshape(B, F * D)
    return _mlp(xc, x_cont, w1e, w1c, b1f, w2f, b2f, w3f, b3f)

# --- scband reference (transcript-rebuilt; emitter-appended) ---
"""Pipeline reference for scband-feed-forward-nn-50903952392202 (READ-ONLY COPY).

The authoritative reference and input builder live on the scoring server;
editing this copy changes nothing except your own understanding.
"""

import jax, jax.numpy as jnp
import numpy as np

B = 16384
F = 26
V = 100000
D = 16
NC = 13
H1 = 128
H2 = 64
OUT = 1
EPS = 1e-5


def setup_inputs(seed: int = 0) -> dict:
    key = jax.random.key(seed)
    ks = jax.random.split(key, 12)
    x_cat = jax.random.randint(ks[0], (B, F), 0, V)
    x_cont = jax.random.normal(ks[1], (B, NC), dtype=jnp.float32)
    # stacked embedding tables: 26 tables, each [100000, 16]
    tables = jax.random.normal(ks[2], (F, V, D), dtype=jnp.float32) * 0.01
    n_inp = F * D + NC
    W1 = jax.random.normal(ks[3], (n_inp, H1), dtype=jnp.float32) * 0.02
    b1 = jnp.zeros((H1,), dtype=jnp.float32)
    g1 = jnp.ones((H1,), dtype=jnp.float32)
    bb1 = jnp.zeros((H1,), dtype=jnp.float32)
    W2 = jax.random.normal(ks[4], (H1, H2), dtype=jnp.float32) * 0.05
    b2 = jnp.zeros((H2,), dtype=jnp.float32)
    g2 = jnp.ones((H2,), dtype=jnp.float32)
    bb2 = jnp.zeros((H2,), dtype=jnp.float32)
    W3 = jax.random.normal(ks[5], (H2, OUT), dtype=jnp.float32) * 0.05
    b3 = jnp.zeros((OUT,), dtype=jnp.float32)
    gamma_c = jnp.ones((NC,), dtype=jnp.float32)
    beta_c = jnp.zeros((NC,), dtype=jnp.float32)
    return {
        'x_cat': x_cat, 'x_cont': x_cont, 'tables': tables,
        'gamma_c': gamma_c, 'beta_c': beta_c,
        'W1': W1, 'b1': b1, 'g1': g1, 'bb1': bb1,
        'W2': W2, 'b2': b2, 'g2': g2, 'bb2': bb2,
        'W3': W3, 'b3': b3,
    }


def reference(x_cat, x_cont, tables, gamma_c, beta_c,
              W1, b1, g1, bb1, W2, b2, g2, bb2, W3, b3):
    # per-field embedding lookup (gather) and concat
    embs = [jnp.take(tables[i], x_cat[:, i], axis=0) for i in range(F)]
    xc = jnp.concatenate(embs, axis=1)
    # emb dropout: identity in eval mode
    # BatchNorm1d(n_cont), eval mode: running_mean=0, running_var=1
    xn = (x_cont - 0.0) / jnp.sqrt(1.0 + EPS) * gamma_c + beta_c
    x = jnp.concatenate([xc, xn], axis=1)
    h = x @ W1 + b1
    h = jnp.maximum(h, 0.0)
    h = h / jnp.sqrt(1.0 + EPS) * g1 + bb1
    h = h @ W2 + b2
    h = jnp.maximum(h, 0.0)
    h = h / jnp.sqrt(1.0 + EPS) * g2 + bb2
    out = h @ W3 + b3
    return out

if __name__ == "__main__":
    import jax
    _d = setup_inputs()
    print(jax.jit(kernel)(*tuple(_d.values())))

</pallas_src>

<mosaic_0001>
#map = affine_map<(d0, d1) -> (0, 0)>
#map1 = affine_map<(d0, d1) -> (0)>
module attributes {stable_mosaic.version = 14 : i64} {
  func.func @gather_kernel(%arg0: i32, %arg1: i32, %arg2: memref<2600000x16xf32, #tpu.memory_space<hbm>>, %arg3: memref<3407872xi32, #tpu.memory_space<hbm>>, %arg4: memref<3407872x16xf32, #tpu.memory_space<hbm>>, %arg5: memref<512xi32, #tpu.memory_space<vmem>>, %arg6: memref<!tpu.dma_semaphore, #tpu.memory_space<semaphore_mem>>, %arg7: memref<!tpu.dma_semaphore, #tpu.memory_space<semaphore_mem>>, %arg8: memref<128x16xf32, #tpu.memory_space<vmem>>, %arg9: memref<128x16xf32, #tpu.memory_space<vmem>>, %arg10: memref<128x16xf32, #tpu.memory_space<vmem>>, %arg11: memref<128x16xf32, #tpu.memory_space<vmem>>) attributes {dimension_semantics = [#tpu.dimension_semantics<core_parallel>, #tpu.dimension_semantics<subcore_parallel>], iteration_bounds = array<i64: 2, 16>, scalar_prefetch = 0 : i64, scratch_operands = 7 : i64, tpu.core_type = #tpu.core_type<sc_vector_subcore>, window_params = [{transform_indices = #map}, {transform_indices = #map1}, {transform_indices = #map}]} {
    %mul3A = arith.constant 2 : i32
    %mul3A_0 = arith.muli %arg1, %mul3A : i32
    %add3A = arith.addi %mul3A_0, %arg0 : i32
    %mul3A_1 = arith.constant 208 : i32
    %mul3A_2 = arith.muli %add3A, %mul3A_1 : i32
    %scan3A = arith.constant 0 : i32
    %scan3A_3 = arith.constant 208 : i32
    %scan3A_4 = arith.addi %scan3A, %scan3A_3 : i32
    %scan3A_5 = arith.constant 1 : i32
    scf.for %scan3A_7 = %scan3A to %scan3A_4 step %scan3A_5  : i32 {
      %mul3A_8 = arith.constant 1 : i32
      %mul3A_9 = arith.muli %scan3A_7, %mul3A_8 : i32
      %add3A_10 = arith.constant 0 : i32
      %add3A_11 = arith.addi %add3A_10, %mul3A_9 : i32
      %add3A_12 = arith.addi %mul3A_2, %add3A_11 : i32
      %mul3A_13 = arith.constant 512 : i32
      %mul3A_14 = arith.muli %add3A_12, %mul3A_13 : i32
      "tpu.region"() ({
        %run_scoped3A = tpu.sem_alloc : memref<!tpu.dma_semaphore, #tpu.memory_space<semaphore_mem>>
        %dma_start3A_93 = tpu.memref_slice %arg3[%mul3A_14] : memref<3407872xi32, #tpu.memory_space<hbm>> -> memref<512xi32, #tpu.memory_space<hbm>>
        %dma_start3A_94 = tpu.memref_slice %arg3[%mul3A_14] : memref<3407872xi32, #tpu.memory_space<hbm>> -> memref<512xi32, #tpu.memory_space<hbm>>
        tpu.enqueue_dma source(%dma_start3A_94 : memref<512xi32, #tpu.memory_space<hbm>>) target(%arg5 : memref<512xi32, #tpu.memory_space<vmem>>) target_semaphore(%run_scoped3A : memref<!tpu.dma_semaphore, #tpu.memory_space<semaphore_mem>>)
        %dma_wait3A_95 = tpu.memref_slice %arg3[%mul3A_14] : memref<3407872xi32, #tpu.memory_space<hbm>> -> memref<512xi32, #tpu.memory_space<hbm>>
        %dma_wait3A_96 = tpu.memref_slice %arg3[%mul3A_14] : memref<3407872xi32, #tpu.memory_space<hbm>> -> memref<512xi32, #tpu.memory_space<hbm>>
        tpu.wait_dma2 semaphore(%run_scoped3A : memref<!tpu.dma_semaphore, #tpu.memory_space<semaphore_mem>>) src(%dma_wait3A_96 : memref<512xi32, #tpu.memory_space<hbm>>) dst(%arg5 : memref<512xi32, #tpu.memory_space<vmem>>)
        tpu.yield
      }) : () -> ()
      %dma_start3A = arith.constant 0 : i32
      %dma_start3A_15 = tpu.memref_slice %arg5[%dma_start3A] : memref<512xi32, #tpu.memory_space<vmem>> -> memref<128xi32, #tpu.memory_space<vmem>>
      %dma_start3A_16 = arith.constant 0 : i32
      %dma_start3A_17 = arith.constant 0 : i32
      %dma_start3A_18 = tpu.memref_slice %arg2[%dma_start3A_16, %dma_start3A_17] : memref<2600000x16xf32, #tpu.memory_space<hbm>> -> memref<2600000x16xf32, #tpu.memory_space<hbm>>
      tpu.enqueue_indirect_dma source(%dma_start3A_18 : memref<2600000x16xf32, #tpu.memory_space<hbm>>) target(%arg8 : memref<128x16xf32, #tpu.memory_space<vmem>>) offsets(%dma_start3A_15 : memref<128xi32, #tpu.memory_space<vmem>>) semaphore(%arg6 : memref<!tpu.dma_semaphore, #tpu.memory_space<semaphore_mem>>)
      %dma_start3A_19 = arith.constant 128 : i32
      %dma_start3A_20 = tpu.memref_slice %arg5[%dma_start3A_19] : memref<512xi32, #tpu.memory_space<vmem>> -> memref<128xi32, #tpu.memory_space<vmem>>
      %dma_start3A_21 = arith.constant 0 : i32
      %dma_start3A_22 = arith.constant 0 : i32
      %dma_start3A_23 = tpu.memref_slice %arg2[%dma_start3A_21, %dma_start3A_22] : memref<2600000x16xf32, #tpu.memory_space<hbm>> -> memref<2600000x16xf32, #tpu.memory_space<hbm>>
      tpu.enqueue_indirect_dma source(%dma_start3A_23 : memref<2600000x16xf32, #tpu.memory_space<hbm>>) target(%arg9 : memref<128x16xf32, #tpu.memory_space<vmem>>) offsets(%dma_start3A_20 : memref<128xi32, #tpu.memory_space<vmem>>) semaphore(%arg6 : memref<!tpu.dma_semaphore, #tpu.memory_space<semaphore_mem>>)
      %dma_start3A_24 = arith.constant 256 : i32
      %dma_start3A_25 = tpu.memref_slice %arg5[%dma_start3A_24] : memref<512xi32, #tpu.memory_space<vmem>> -> memref<128xi32, #tpu.memory_space<vmem>>
      %dma_start3A_26 = arith.constant 0 : i32
      %dma_start3A_27 = arith.constant 0 : i32
      %dma_start3A_28 = tpu.memref_slice %arg2[%dma_start3A_26, %dma_start3A_27] : memref<2600000x16xf32, #tpu.memory_space<hbm>> -> memref<2600000x16xf32, #tpu.memory_space<hbm>>
      tpu.enqueue_indirect_dma source(%dma_start3A_28 : memref<2600000x16xf32, #tpu.memory_space<hbm>>) target(%arg10 : memref<128x16xf32, #tpu.memory_space<vmem>>) offsets(%dma_start3A_25 : memref<128xi32, #tpu.memory_space<vmem>>) semaphore(%arg6 : memref<!tpu.dma_semaphore, #tpu.memory_space<semaphore_mem>>)
      %dma_start3A_29 = arith.constant 384 : i32
      %dma_start3A_30 = tpu.memref_slice %arg5[%dma_start3A_29] : memref<512xi32, #tpu.memory_space<vmem>> -> memref<128xi32, #tpu.memory_space<vmem>>
      %dma_start3A_31 = arith.constant 0 : i32
      %dma_start3A_32 = arith.constant 0 : i32
      %dma_start3A_33 = tpu.memref_slice %arg2[%dma_start3A_31, %dma_start3A_32] : memref<2600000x16xf32, #tpu.memory_space<hbm>> -> memref<2600000x16xf32, #tpu.memory_space<hbm>>
      tpu.enqueue_indirect_dma source(%dma_start3A_33 : memref<2600000x16xf32, #tpu.memory_space<hbm>>) target(%arg11 : memref<128x16xf32, #tpu.memory_space<vmem>>) offsets(%dma_start3A_30 : memref<128xi32, #tpu.memory_space<vmem>>) semaphore(%arg6 : memref<!tpu.dma_semaphore, #tpu.memory_space<semaphore_mem>>)
      %dma_wait3A = arith.constant 0 : i32
      %dma_wait3A_34 = tpu.memref_slice %arg5[%dma_wait3A] : memref<512xi32, #tpu.memory_space<vmem>> -> memref<128xi32, #tpu.memory_space<vmem>>
      %dma_wait3A_35 = arith.constant 0 : i32
      %dma_wait3A_36 = arith.constant 0 : i32
      %dma_wait3A_37 = tpu.memref_slice %arg2[%dma_wait3A_35, %dma_wait3A_36] : memref<2600000x16xf32, #tpu.memory_space<hbm>> -> memref<2600000x16xf32, #tpu.memory_space<hbm>>
      tpu.wait_indirect_dma semaphore(%arg6 : memref<!tpu.dma_semaphore, #tpu.memory_space<semaphore_mem>>) src(%dma_wait3A_37 : memref<2600000x16xf32, #tpu.memory_space<hbm>>) dst(%arg8 : memref<128x16xf32, #tpu.memory_space<vmem>>)
      %add3A_38 = arith.constant 0 : i32
      %add3A_39 = arith.addi %mul3A_14, %add3A_38 : i32
      %dma_start3A_40 = arith.constant 0 : i32
      %dma_start3A_41 = tpu.memref_slice %arg4[%add3A_39, %dma_start3A_40] : memref<3407872x16xf32, #tpu.memory_space<hbm>> -> memref<128x16xf32, #tpu.memory_space<hbm>>
      %dma_start3A_42 = arith.constant 0 : i32
      %dma_start3A_43 = tpu.memref_slice %arg4[%add3A_39, %dma_start3A_42] : memref<3407872x16xf32, #tpu.memory_space<hbm>> -> memref<128x16xf32, #tpu.memory_space<hbm>>
      tpu.enqueue_dma source(%arg8 : memref<128x16xf32, #tpu.memory_space<vmem>>) target(%dma_start3A_43 : memref<128x16xf32, #tpu.memory_space<hbm>>) target_semaphore(%arg7 : memref<!tpu.dma_semaphore, #tpu.memory_space<semaphore_mem>>)
      %dma_wait3A_44 = arith.constant 128 : i32
      %dma_wait3A_45 = tpu.memref_slice %arg5[%dma_wait3A_44] : memref<512xi32, #tpu.memory_space<vmem>> -> memref<128xi32, #tpu.memory_space<vmem>>
      %dma_wait3A_46 = arith.constant 0 : i32
      %dma_wait3A_47 = arith.constant 0 : i32
      %dma_wait3A_48 = tpu.memref_slice %arg2[%dma_wait3A_46, %dma_wait3A_47] : memref<2600000x16xf32, #tpu.memory_space<hbm>> -> memref<2600000x16xf32, #tpu.memory_space<hbm>>
      tpu.wait_indirect_dma semaphore(%arg6 : memref<!tpu.dma_semaphore, #tpu.memory_space<semaphore_mem>>) src(%dma_wait3A_48 : memref<2600000x16xf32, #tpu.memory_space<hbm>>) dst(%arg9 : memref<128x16xf32, #tpu.memory_space<vmem>>)
      %add3A_49 = arith.constant 128 : i32
      %add3A_50 = arith.addi %mul3A_14, %add3A_49 : i32
      %dma_start3A_51 = arith.constant 0 : i32
      %dma_start3A_52 = tpu.memref_slice %arg4[%add3A_50, %dma_start3A_51] : memref<3407872x16xf32, #tpu.memory_space<hbm>> -> memref<128x16xf32, #tpu.memory_space<hbm>>
      %dma_start3A_53 = arith.constant 0 : i32
      %dma_start3A_54 = tpu.memref_slice %arg4[%add3A_50, %dma_start3A_53] : memref<3407872x16xf32, #tpu.memory_space<hbm>> -> memref<128x16xf32, #tpu.memory_space<hbm>>
      tpu.enqueue_dma source(%arg9 : memref<128x16xf32, #tpu.memory_space<vmem>>) target(%dma_start3A_54 : memref<128x16xf32, #tpu.memory_space<hbm>>) target_semaphore(%arg7 : memref<!tpu.dma_semaphore, #tpu.memory_space<semaphore_mem>>)
      %dma_wait3A_55 = arith.constant 256 : i32
      %dma_wait3A_56 = tpu.memref_slice %arg5[%dma_wait3A_55] : memref<512xi32, #tpu.memory_space<vmem>> -> memref<128xi32, #tpu.memory_space<vmem>>
      %dma_wait3A_57 = arith.constant 0 : i32
      %dma_wait3A_58 = arith.constant 0 : i32
      %dma_wait3A_59 = tpu.memref_slice %arg2[%dma_wait3A_57, %dma_wait3A_58] : memref<2600000x16xf32, #tpu.memory_space<hbm>> -> memref<2600000x16xf32, #tpu.memory_space<hbm>>
      tpu.wait_indirect_dma semaphore(%arg6 : memref<!tpu.dma_semaphore, #tpu.memory_space<semaphore_mem>>) src(%dma_wait3A_59 : memref<2600000x16xf32, #tpu.memory_space<hbm>>) dst(%arg10 : memref<128x16xf32, #tpu.memory_space<vmem>>)
      %add3A_60 = arith.constant 256 : i32
      %add3A_61 = arith.addi %mul3A_14, %add3A_60 : i32
      %dma_start3A_62 = arith.constant 0 : i32
      %dma_start3A_63 = tpu.memref_slice %arg4[%add3A_61, %dma_start3A_62] : memref<3407872x16xf32, #tpu.memory_space<hbm>> -> memref<128x16xf32, #tpu.memory_space<hbm>>
      %dma_start3A_64 = arith.constant 0 : i32
      %dma_start3A_65 = tpu.memref_slice %arg4[%add3A_61, %dma_start3A_64] : memref<3407872x16xf32, #tpu.memory_space<hbm>> -> memref<128x16xf32, #tpu.memory_space<hbm>>
      tpu.enqueue_dma source(%arg10 : memref<128x16xf32, #tpu.memory_space<vmem>>) target(%dma_start3A_65 : memref<128x16xf32, #tpu.memory_space<hbm>>) target_semaphore(%arg7 : memref<!tpu.dma_semaphore, #tpu.memory_space<semaphore_mem>>)
      %dma_wait3A_66 = arith.constant 384 : i32
      %dma_wait3A_67 = tpu.memref_slice %arg5[%dma_wait3A_66] : memref<512xi32, #tpu.memory_space<vmem>> -> memref<128xi32, #tpu.memory_space<vmem>>
      %dma_wait3A_68 = arith.constant 0 : i32
      %dma_wait3A_69 = arith.constant 0 : i32
      %dma_wait3A_70 = tpu.memref_slice %arg2[%dma_wait3A_68, %dma_wait3A_69] : memref<2600000x16xf32, #tpu.memory_space<hbm>> -> memref<2600000x16xf32, #tpu.memory_space<hbm>>
      tpu.wait_indirect_dma semaphore(%arg6 : memref<!tpu.dma_semaphore, #tpu.memory_space<semaphore_mem>>) src(%dma_wait3A_70 : memref<2600000x16xf32, #tpu.memory_space<hbm>>) dst(%arg11 : memref<128x16xf32, #tpu.memory_space<vmem>>)
      %add3A_71 = arith.constant 384 : i32
      %add3A_72 = arith.addi %mul3A_14, %add3A_71 : i32
      %dma_start3A_73 = arith.constant 0 : i32
      %dma_start3A_74 = tpu.memref_slice %arg4[%add3A_72, %dma_start3A_73] : memref<3407872x16xf32, #tpu.memory_space<hbm>> -> memref<128x16xf32, #tpu.memory_space<hbm>>
      %dma_start3A_75 = arith.constant 0 : i32
      %dma_start3A_76 = tpu.memref_slice %arg4[%add3A_72, %dma_start3A_75] : memref<3407872x16xf32, #tpu.memory_space<hbm>> -> memref<128x16xf32, #tpu.memory_space<hbm>>
      tpu.enqueue_dma source(%arg11 : memref<128x16xf32, #tpu.memory_space<vmem>>) target(%dma_start3A_76 : memref<128x16xf32, #tpu.memory_space<hbm>>) target_semaphore(%arg7 : memref<!tpu.dma_semaphore, #tpu.memory_space<semaphore_mem>>)
      %dma_wait3A_77 = arith.constant 0 : i32
      %dma_wait3A_78 = tpu.memref_slice %arg4[%add3A_39, %dma_wait3A_77] : memref<3407872x16xf32, #tpu.memory_space<hbm>> -> memref<128x16xf32, #tpu.memory_space<hbm>>
      %dma_wait3A_79 = arith.constant 0 : i32
      %dma_wait3A_80 = tpu.memref_slice %arg4[%add3A_39, %dma_wait3A_79] : memref<3407872x16xf32, #tpu.memory_space<hbm>> -> memref<128x16xf32, #tpu.memory_space<hbm>>
      tpu.wait_dma2 semaphore(%arg7 : memref<!tpu.dma_semaphore, #tpu.memory_space<semaphore_mem>>) src(%arg8 : memref<128x16xf32, #tpu.memory_space<vmem>>) dst(%dma_wait3A_80 : memref<128x16xf32, #tpu.memory_space<hbm>>)
      %dma_wait3A_81 = arith.constant 0 : i32
      %dma_wait3A_82 = tpu.memref_slice %arg4[%add3A_50, %dma_wait3A_81] : memref<3407872x16xf32, #tpu.memory_space<hbm>> -> memref<128x16xf32, #tpu.memory_space<hbm>>
      %dma_wait3A_83 = arith.constant 0 : i32
      %dma_wait3A_84 = tpu.memref_slice %arg4[%add3A_50, %dma_wait3A_83] : memref<3407872x16xf32, #tpu.memory_space<hbm>> -> memref<128x16xf32, #tpu.memory_space<hbm>>
      tpu.wait_dma2 semaphore(%arg7 : memref<!tpu.dma_semaphore, #tpu.memory_space<semaphore_mem>>) src(%arg9 : memref<128x16xf32, #tpu.memory_space<vmem>>) dst(%dma_wait3A_84 : memref<128x16xf32, #tpu.memory_space<hbm>>)
      %dma_wait3A_85 = arith.constant 0 : i32
      %dma_wait3A_86 = tpu.memref_slice %arg4[%add3A_61, %dma_wait3A_85] : memref<3407872x16xf32, #tpu.memory_space<hbm>> -> memref<128x16xf32, #tpu.memory_space<hbm>>
      %dma_wait3A_87 = arith.constant 0 : i32
      %dma_wait3A_88 = tpu.memref_slice %arg4[%add3A_61, %dma_wait3A_87] : memref<3407872x16xf32, #tpu.memory_space<hbm>> -> memref<128x16xf32, #tpu.memory_space<hbm>>
      tpu.wait_dma2 semaphore(%arg7 : memref<!tpu.dma_semaphore, #tpu.memory_space<semaphore_mem>>) src(%arg10 : memref<128x16xf32, #tpu.memory_space<vmem>>) dst(%dma_wait3A_88 : memref<128x16xf32, #tpu.memory_space<hbm>>)
      %dma_wait3A_89 = arith.constant 0 : i32
      %dma_wait3A_90 = tpu.memref_slice %arg4[%add3A_72, %dma_wait3A_89] : memref<3407872x16xf32, #tpu.memory_space<hbm>> -> memref<128x16xf32, #tpu.memory_space<hbm>>
      %dma_wait3A_91 = arith.constant 0 : i32
      %dma_wait3A_92 = tpu.memref_slice %arg4[%add3A_72, %dma_wait3A_91] : memref<3407872x16xf32, #tpu.memory_space<hbm>> -> memref<128x16xf32, #tpu.memory_space<hbm>>
      tpu.wait_dma2 semaphore(%arg7 : memref<!tpu.dma_semaphore, #tpu.memory_space<semaphore_mem>>) src(%arg11 : memref<128x16xf32, #tpu.memory_space<vmem>>) dst(%dma_wait3A_92 : memref<128x16xf32, #tpu.memory_space<hbm>>)
    }
    %scan3A_6 = arith.constant 208 : i32
    return
  }
}

module attributes {stable_mosaic.version = 14 : i64} {
  func.func @_mlp_body(%arg0: i32, %arg1: memref<1024x416xf32, #tpu.memory_space<vmem>>, %arg2: memref<1024x13xf32, #tpu.memory_space<vmem>>, %arg3: memref<416x128xf32, #tpu.memory_space<vmem>>, %arg4: memref<13x128xf32, #tpu.memory_space<vmem>>, %arg5: memref<1x128xf32, #tpu.memory_space<vmem>>, %arg6: memref<128x64xf32, #tpu.memory_space<vmem>>, %arg7: memref<1x64xf32, #tpu.memory_space<vmem>>, %arg8: memref<64x1xf32, #tpu.memory_space<vmem>>, %arg9: memref<1x1xf32, #tpu.memory_space<vmem>>, %arg10: memref<1024x1xf32, #tpu.memory_space<vmem>>) attributes {dimension_semantics = [#tpu.dimension_semantics<arbitrary>], iteration_bounds = array<i64: 16>, scalar_prefetch = 0 : i64, scratch_operands = 0 : i64, tpu.core_type = #tpu.core_type<tc>, window_params = [{transform_indices = @transform_0, window_bounds = array<i64: 1024, 416>}, {transform_indices = @transform_1, window_bounds = array<i64: 1024, 13>}, {pipeline_mode = #tpu.pipeline_mode<synchronous>, transform_indices = @transform_2, window_bounds = array<i64: 416, 128>}, {pipeline_mode = #tpu.pipeline_mode<synchronous>, transform_indices = @transform_3, window_bounds = array<i64: 13, 128>}, {pipeline_mode = #tpu.pipeline_mode<synchronous>, transform_indices = @transform_4, window_bounds = array<i64: 1, 128>}, {pipeline_mode = #tpu.pipeline_mode<synchronous>, transform_indices = @transform_5, window_bounds = array<i64: 128, 64>}, {pipeline_mode = #tpu.pipeline_mode<synchronous>, transform_indices = @transform_6, window_bounds = array<i64: 1, 64>}, {pipeline_mode = #tpu.pipeline_mode<synchronous>, transform_indices = @transform_7, window_bounds = array<i64: 64, 1>}, {pipeline_mode = #tpu.pipeline_mode<synchronous>, transform_indices = @transform_8, window_bounds = array<i64: 1, 1>}, {transform_indices = @transform_9, window_bounds = array<i64: 1024, 1>}]} {
    %get3A = arith.constant 0 : index
    %get3A_0 = arith.constant 0 : index
    %get3A_1 = vector.load %arg1[%get3A, %get3A_0] : memref<1024x416xf32, #tpu.memory_space<vmem>>, vector<1024x416xf32>
    %get3A_2 = arith.constant 0 : index
    %get3A_3 = arith.constant 0 : index
    %get3A_4 = vector.load %arg3[%get3A_2, %get3A_3] : memref<416x128xf32, #tpu.memory_space<vmem>>, vector<416x128xf32>
    %dot_general3A = arith.constant dense<0.000000e+00> : vector<1024x128xf32>
    %dot_general3A_5 = tpu.matmul %get3A_1, %get3A_4, %dot_general3A {dimension_numbers = #tpu.dot_dimension_numbers<[1], [0], [0], [1], [0, 0, 1, 1], [], []>, transpose_lhs_hint = false} : vector<1024x416xf32>, vector<416x128xf32>, vector<1024x128xf32> -> vector<1024x128xf32>
    %get3A_6 = arith.constant 0 : index
    %get3A_7 = arith.constant 0 : index
    %get3A_8 = vector.load %arg2[%get3A_6, %get3A_7] : memref<1024x13xf32, #tpu.memory_space<vmem>>, vector<1024x13xf32>
    %get3A_9 = arith.constant 0 : index
    %get3A_10 = arith.constant 0 : index
    %get3A_11 = vector.load %arg4[%get3A_9, %get3A_10] : memref<13x128xf32, #tpu.memory_space<vmem>>, vector<13x128xf32>
    %dot_general3A_12 = arith.constant dense<0.000000e+00> : vector<1024x128xf32>
    %dot_general3A_13 = tpu.matmul %get3A_8, %get3A_11, %dot_general3A_12 {dimension_numbers = #tpu.dot_dimension_numbers<[1], [0], [0], [1], [0, 0, 1, 1], [], []>, transpose_lhs_hint = false} : vector<1024x13xf32>, vector<13x128xf32>, vector<1024x128xf32> -> vector<1024x128xf32>
    %add3A = arith.addf %dot_general3A_5, %dot_general3A_13 : vector<1024x128xf32>
    %get3A_14 = arith.constant 0 : index
    %get3A_15 = arith.constant 0 : index
    %get3A_16 = vector.load %arg5[%get3A_14, %get3A_15] : memref<1x128xf32, #tpu.memory_space<vmem>>, vector<1x128xf32>
    %add3A_17 = vector.broadcast %get3A_16 : vector<1x128xf32> to vector<1024x128xf32>
    %add3A_18 = arith.addf %add3A, %add3A_17 : vector<1024x128xf32>
    %max3A = arith.constant 0.000000e+00 : f32
    %max3A_19 = vector.broadcast %max3A : f32 to vector<1024x128xf32>
    %max3A_20 = arith.maximumf %add3A_18, %max3A_19 : vector<1024x128xf32>
    %get3A_21 = arith.constant 0 : index
    %get3A_22 = arith.constant 0 : index
    %get3A_23 = vector.load %arg6[%get3A_21, %get3A_22] : memref<128x64xf32, #tpu.memory_space<vmem>>, vector<128x64xf32>
    %dot_general3A_24 = arith.constant dense<0.000000e+00> : vector<1024x64xf32>
    %dot_general3A_25 = tpu.matmul %max3A_20, %get3A_23, %dot_general3A_24 {dimension_numbers = #tpu.dot_dimension_numbers<[1], [0], [0], [1], [0, 0, 1, 1], [], []>, transpose_lhs_hint = false} : vector<1024x128xf32>, vector<128x64xf32>, vector<1024x64xf32> -> vector<1024x64xf32>
    %get3A_26 = arith.constant 0 : index
    %get3A_27 = arith.constant 0 : index
    %get3A_28 = vector.load %arg7[%get3A_26, %get3A_27] : memref<1x64xf32, #tpu.memory_space<vmem>>, vector<1x64xf32>
    %add3A_29 = vector.broadcast %get3A_28 : vector<1x64xf32> to vector<1024x64xf32>
    %add3A_30 = arith.addf %dot_general3A_25, %add3A_29 : vector<1024x64xf32>
    %max3A_31 = arith.constant 0.000000e+00 : f32
    %max3A_32 = vector.broadcast %max3A_31 : f32 to vector<1024x64xf32>
    %max3A_33 = arith.maximumf %add3A_30, %max3A_32 : vector<1024x64xf32>
    %get3A_34 = arith.constant 0 : index
    %get3A_35 = arith.constant 0 : index
    %get3A_36 = vector.load %arg8[%get3A_34, %get3A_35] : memref<64x1xf32, #tpu.memory_space<vmem>>, vector<64x1xf32>
    %dot_general3A_37 = arith.constant dense<0.000000e+00> : vector<1024x1xf32>
    %dot_general3A_38 = tpu.matmul %max3A_33, %get3A_36, %dot_general3A_37 {dimension_numbers = #tpu.dot_dimension_numbers<[1], [0], [0], [1], [0, 0, 1, 1], [], []>, transpose_lhs_hint = false} : vector<1024x64xf32>, vector<64x1xf32>, vector<1024x1xf32> -> vector<1024x1xf32>
    %get3A_39 = arith.constant 0 : index
    %get3A_40 = arith.constant 0 : index
    %get3A_41 = vector.load %arg9[%get3A_39, %get3A_40] : memref<1x1xf32, #tpu.memory_space<vmem>>, vector<1x1xf32>
    %add3A_42 = vector.broadcast %get3A_41 : vector<1x1xf32> to vector<1024x1xf32>
    %add3A_43 = arith.addf %dot_general3A_38, %add3A_42 : vector<1024x1xf32>
    %swap3A = arith.constant 0 : index
    %swap3A_44 = arith.constant 0 : index
    %swap3A_45 = vector.load %arg10[%swap3A, %swap3A_44] : memref<1024x1xf32, #tpu.memory_space<vmem>>, vector<1024x1xf32>
    tpu.vector_store %arg10[%swap3A, %swap3A_44], %add3A_43 {strides = array<i32>} : memref<1024x1xf32, #tpu.memory_space<vmem>>, vector<1024x1xf32>,
    return
  }
  func.func @transform_0(%arg0: i32) -> (i32, i32) {
    %c0_i32 = arith.constant 0 : i32
    %c0_i32_0 = arith.constant 0 : i32
    return %arg0, %c0_i32 : i32, i32
  }
  func.func @transform_1(%arg0: i32) -> (i32, i32) {
    %c0_i32 = arith.constant 0 : i32
    %c0_i32_0 = arith.constant 0 : i32
    return %arg0, %c0_i32 : i32, i32
  }
  func.func @transform_2(%arg0: i32) -> (i32, i32) {
    %c0_i32 = arith.constant 0 : i32
    %c0_i32_0 = arith.constant 0 : i32
    %c0_i32_1 = arith.constant 0 : i32
    return %c0_i32, %c0_i32_0 : i32, i32
  }
  func.func @transform_3(%arg0: i32) -> (i32, i32) {
    %c0_i32 = arith.constant 0 : i32
    %c0_i32_0 = arith.constant 0 : i32
    %c0_i32_1 = arith.constant 0 : i32
    return %c0_i32, %c0_i32_0 : i32, i32
  }
  func.func @transform_4(%arg0: i32) -> (i32, i32) {
    %c0_i32 = arith.constant 0 : i32
    %c0_i32_0 = arith.constant 0 : i32
    %c0_i32_1 = arith.constant 0 : i32
    return %c0_i32, %c0_i32_0 : i32, i32
  }
  func.func @transform_5(%arg0: i32) -> (i32, i32) {
    %c0_i32 = arith.constant 0 : i32
    %c0_i32_0 = arith.constant 0 : i32
    %c0_i32_1 = arith.constant 0 : i32
    return %c0_i32, %c0_i32_0 : i32, i32
  }
  func.func @transform_6(%arg0: i32) -> (i32, i32) {
    %c0_i32 = arith.constant 0 : i32
    %c0_i32_0 = arith.constant 0 : i32
    %c0_i32_1 = arith.constant 0 : i32
    return %c0_i32, %c0_i32_0 : i32, i32
  }
  func.func @transform_7(%arg0: i32) -> (i32, i32) {
    %c0_i32 = arith.constant 0 : i32
    %c0_i32_0 = arith.constant 0 : i32
    %c0_i32_1 = arith.constant 0 : i32
    return %c0_i32, %c0_i32_0 : i32, i32
  }
  func.func @transform_8(%arg0: i32) -> (i32, i32) {
    %c0_i32 = arith.constant 0 : i32
    %c0_i32_0 = arith.constant 0 : i32
    %c0_i32_1 = arith.constant 0 : i32
    return %c0_i32, %c0_i32_0 : i32, i32
  }
  func.func @transform_9(%arg0: i32) -> (i32, i32) {
    %c0_i32 = arith.constant 0 : i32
    %c0_i32_0 = arith.constant 0 : i32
    return %arg0, %c0_i32 : i32, i32
  }
}

</mosaic_0001>

<sc_bundles>
// kernel: kernel.4.cloned.1.call-start
scs
__scs_entry_jumppad:
0x0: {  	(pc) =	sbr.rel $0x88, $3  }
0x1: {  	(tag) =	ssettag $0x0;
	lr =	simm.s32 $0x1  }
0x2: {  	[smem:$0x3F92] =	sst lr;
	_ =	strace $0xD0000000  }
0x3: {  	_ = 	snop  }
0x4: {  	_ = 	snop  }
0x5: {  	_ = 	snop  }
0x6: {  	_ = 	snop  }
0x7: {  	_ = 	snop  }
__scs_overlays_trampoline_lowered:
0x8: {  	[smem:$0x3FA1] =	sst s0  }
0x9: {  	[smem:$0x3FA2] =	sst s1  }
0xa: {  	[smem:$0x3FA3] =	sst s2  }
0xb: {  	[smem:$0x3FA4] =	sst s3  }
0xc: {  	[smem:$0x3FA5] =	sst s4  }
0xd: {  	[smem:$0x3FA6] =	sst s5  }
0xe: {  	[smem:$0x3FA7] =	sst s6  }
0xf: {  	[smem:$0x3FA8] =	sst s7  }
0x10: {  	[smem:$0x3FA9] =	sst s8  }
0x11: {  	[smem:$0x3FAA] =	sst s9;
	s0 =	simm.s32 @!p0 $0x0  }
0x12: {  	s1 =	sld [smem:$0x3F90];
	s0 =	simm.s32 @p0 $0x1  }
0x13: {  	[smem:$0x3FAB] =	sst s0;
	s0 =	simm.s32 @!p1 $0x0  }
0x14: {  	s2 =	sld [smem:$0x3F8F];
	s0 =	simm.s32 @p1 $0x1  }
0x15: {  	[smem:$0x3FAC] =	sst s0;
	s0 =	simm.s32 @!p2 $0x0  }
0x16: {  	s3 =	sld [smem:$0x3FDB];
	s0 =	simm.s32 @p2 $0x1  }
0x17: {  	s4 =	simm.s32 $0x1BF5;
	[smem:$0x3FAE] =	sst s0  }
0x18: {  	s0 =	sld [smem:$0x3F91];
	_ =	swait.ge [sflag:s4], $0x0  }
0x19: {  	s7 =	sld [smem:$0x3F92]  }
0x1a: {  	s8 =	sadd.s32 $0xFFFFE003, lr  }
0x1b: {  	s9 =	sadd.s32 $0xFFFFFEF7, lr;
	s5 =	simm.s32 $0xFFFFFFFF;
	p2 =	slt.u32 s8, $0xFFFFF086  }
0x1c: {  	p1 =	slt.u32 s9, $0xF7A;
	s5 =	simm.s32 @!p2 $0x0  }
0x1d: {  	s5 =	simm.s32 @p1 $0x1;
	p0 =	seq.s32 s7, s2  }
0x1e: {  	s7 =	smul.u32 @!p0 $0xF7A, s2;
	p2 =	seq.s32 @!p0 s5, $0x0  }
0x1f: {  	s9 =	smul.u32 $0xF7A, s1;
	s8 =	simm.s32 @!p0 $0x1BF5;
	p2 =	por !p2, p0  }
0x20: {  	[sflag:s8] =	ssyncset.s32 @!p0 $0xFFFFF086;
	s6 =	sadd.s32 @!p0 s3, s7;
	s7 =	simm.s32 @!p0 $0x108  }
0x21: {  	s3 =	sadd.s32 s3, s9;
	s6 =	sadd.s32 @!p0 $0x88, s6;
	s7 =	simm.s32 @p2 $0x1082  }
0x22: {  	[simem:s7], [sflag:s8] =	dma.local @!p0 [hbm:s6], $0xF7A  }
0x23: {  	s9 =	sor.u32 $0xD0000000, s2;
	s6 =	simm.s32 $0x108;
	_ =	swait.ge @!p0 [sflag:s8], $0x0  }
0x24: {  	s3 =	sadd.s32 $0x88, s3;
	s6 =	simm.s32 @!p1 $0x1082;
	[sflag:s4] =	ssyncset.s32 $0xFFFFF086  }
0x25: {  	[simem:s6], [sflag:s4] =	dma.local [hbm:s3], $0xF7A  }
0x26: {  	[smem:$0x3F92] =	sst s1;
	(tag) =	ssettag s2;
	_ =	strace s9  }
0x27: {  	s1 =	sld [smem:$0x3FA2]  }
0x28: {  	s2 =	sld [smem:$0x3FA3]  }
0x29: {  	s4 =	sld [smem:$0x3FA5]  }
0x2a: {  	p0 =	seq.s32 s5, $0x0;
	s5 =	sld [smem:$0x3FA6]  }
0x2b: {  	s6 =	sld [smem:$0x3FA7]  }
0x2c: {  	s7 =	sld [smem:$0x3FA8]  }
0x2d: {  	s3 =	simm.s32 $0x108;
	s8 =	sld [smem:$0x3FA9]  }
0x2e: {  	s3 =	simm.s32 @!p0 $0x1082;
	s9 =	sld [smem:$0x3FAA]  }
0x2f: {  	lr =	sadd.s32 s0, s3;
	s0 =	sld [smem:$0x3FA1]  }
0x30: {  	s3 =	sld [smem:$0x3FA4]  }
0x31: {  	[smem:$0x3FAD] =	sst s10  }
0x32: {  	s10 =	sld [smem:$0x3FAB];
	_ =	sdelay $0x3  }
0x33: {  	p0 =	seq.s32 s10, $0x1;
	s10 =	sld [smem:$0x3FAD];
	_ =	sdelay $0x3  }
0x34: {  	[smem:$0x3FAD] =	sst s10  }
0x35: {  	s10 =	sld [smem:$0x3FAC];
	_ =	sdelay $0x3  }
0x36: {  	p1 =	seq.s32 s10, $0x1;
	s10 =	sld [smem:$0x3FAD];
	_ =	sdelay $0x3  }
0x37: {  	[smem:$0x3FAD] =	sst s10  }
0x38: {  	s10 =	sld [smem:$0x3FAE]  }
0x39: {  	_ = 	snop;
	(pc) =	sbr.ind lr, $3  }
0x3a: {  	_ = 	snop  }
0x3b: {  	_ = 	snop  }
0x3c: {  	p2 =	seq.s32 s10, $0x1;
	s10 =	sld [smem:$0x3FAD]  }
0x3d: {  	_ =	shalt  }
0x3e: {  	_ =	shalt  }
0x3f: {  	_ =	shalt  }
0x40: {  	_ =	shalt  }
0x41: {  	_ =	shalt  }
0x42: {  	_ =	shalt  }
0x43: {  	_ =	shalt  }
0x44: {  	_ =	shalt  }
0x45: {  	_ =	shalt  }
0x46: {  	_ =	shalt  }
0x47: {  	_ =	shalt  }
0x48: {  	_ =	shalt  }
0x49: {  	_ =	shalt  }
0x4a: {  	_ =	shalt  }
0x4b: {  	_ =	shalt  }
0x4c: {  	_ =	shalt  }
0x4d: {  	_ =	shalt  }
0x4e: {  	_ =	shalt  }
0x4f: {  	_ =	shalt  }
0x50: {  	_ =	shalt  }
0x51: {  	_ =	shalt  }
0x52: {  	_ =	shalt  }
0x53: {  	_ =	shalt  }
0x54: {  	_ =	shalt  }
0x55: {  	_ =	shalt  }
0x56: {  	_ =	shalt  }
0x57: {  	_ =	shalt  }
0x58: {  	_ =	shalt  }
0x59: {  	_ =	shalt  }
0x5a: {  	_ =	shalt  }
0x5b: {  	_ =	shalt  }
0x5c: {  	_ =	shalt  }
0x5d: {  	_ =	shalt  }
0x5e: {  	_ =	shalt  }
0x5f: {  	_ =	shalt  }
0x60: {  	_ =	shalt  }
0x61: {  	_ =	shalt  }
0x62: {  	_ =	shalt  }
0x63: {  	_ =	shalt  }
0x64: {  	_ =	shalt  }
0x65: {  	_ =	shalt  }
0x66: {  	_ =	shalt  }
0x67: {  	_ =	shalt  }
0x68: {  	_ =	shalt  }
0x69: {  	_ =	shalt  }
0x6a: {  	_ =	shalt  }
0x6b: {  	_ =	shalt  }
0x6c: {  	_ =	shalt  }
0x6d: {  	_ =	shalt  }
0x6e: {  	_ =	shalt  }
0x6f: {  	_ =	shalt  }
0x70: {  	_ =	shalt  }
0x71: {  	_ =	shalt  }
0x72: {  	_ =	shalt  }
0x73: {  	_ =	shalt  }
0x74: {  	_ =	shalt  }
0x75: {  	_ =	shalt  }
0x76: {  	_ =	shalt  }
0x77: {  	_ =	shalt  }
0x78: {  	_ =	shalt  }
0x79: {  	_ =	shalt  }
0x7a: {  	_ =	shalt  }
0x7b: {  	_ =	shalt  }
0x7c: {  	_ =	shalt  }
0x7d: {  	_ =	shalt  }
0x7e: {  	_ =	shalt  }
0x7f: {  	_ =	shalt  }
0x80: {  	_ =	shalt  }
0x81: {  	_ =	shalt  }
0x82: {  	_ =	shalt  }
0x83: {  	_ =	shalt  }
0x84: {  	_ =	shalt  }
0x85: {  	_ =	shalt  }
0x86: {  	_ =	shalt  }
0x87: {  	_ =	shalt  }
.Lfunc_end0:
.L_simem_size_0:
called_computation.1_lowered:
.L_overlay_start_0:
0x88: {  	s2 =	sld [smem:$0x3FD9]  }
0x89: {  	s3 =	sld [smem:$0x3FFE];
	_ =	sdelay $0x1  }
0x8a: {  	s1 =	srdreg.scid  }
0x8b: {  	s0 =	sand.u32 $0x1, s1  }
0x8c: {  	s16 =	sshll.u32 s0, $0xA;
	s2 =	sadd.s32 s3, s2  }
0x8d: {  	s2 =	sadd.s32 s2, s16  }
0x8e: {  	[smem:$0x3FB9] =	sst s2  }
0x8f: {  	_ = 	snop  }
0x90: {  	(tm) =	ssettm $0x1  }
0x91: {  	s17 =	sld [smem:$0x3FFB];
	_ =	sdelay $0x3  }
0x92: {  	_ =	strace s17  }
0x93: {  	s2 =	sld [smem:$0x3FFC];
	_ =	sdelay $0x3  }
0x94: {  	_ =	strace s2  }
0x95: {  	s2 =	sld [smem:$0x3FFD];
	_ =	sdelay $0x3  }
0x96: {  	_ =	strace s2  }
0x97: {  	_ =	strace $0x8FFFFFFF  }
0x98: {  	s18 =	sld [smem:$0x3FDB];
	_ =	sdelay $0x1  }
0x99: {  	s19 =	simm.s32 $_scs_section_size  }
0x9a: {  	s4 =	simm.s32 $_size__tile_overlayer_lowered;
	s5 =	simm.s32 $_tile_overlayer_lowered  }
0x9b: {  	s22 =	simm.s32 $0x1BFF;
	s21 =	sshll.u32 s5, $0x1;
	s2 =	sadd.s32 s19, s18  }
0x9c: {  	s6 =	simm.s32 $0x0;
	s20 =	sshll.u32 s4, $0x1;
	s4 =	sadd.s32 s21, s2  }
0x9d: {  	[timem:s6], [sflag:s22] =	dma.local [hbm:s4], s20  }
0x9e: {  	_ =	swait.ge [sflag:s22], s20  }
0x9f: {  	s3 =	ssub.s32 $0x0, s20;
	[sflag:s22] =	ssyncset.done $0x0  }
0xa0: {  	[sflag:s22] =	ssyncadd.s32 s3;
	_ =	sdelay $0x1  }
0xa1: {  	s23 =	simm.s32 $0x1B8B  }
0xa2: {  	_ =	swait.ge [sflag:s23], $0x1  }
0xa3: {  	[sflag:s23] =	ssyncset.done $0x0  }
0xa4: {  	s25 =	simm.s32 $0x1B8E;
	s24 =	sld [smem:$0x3FFE];
	[sflag:s23] =	ssyncadd.s32 $0xFFFFFFFF  }
0xa5: {  	s26 =	simm.s32 $execute0_lowered;
	[smem:$0x3FD2] =	sst s25  }
0xa6: {  	s4 =	sshll.u32 s26, $0x1;
	_ =	strace $0x80000049;
	[dreg:$0x1] =	wrdreg $0xFFFFFFFF  }
0xa7: {  	s28 =	simm.s32 $_size_execute0_lowered;
	s2 =	sadd.s32 s2, s4;
	[dreg:$0x0] =	wrdreg $0x0  }
0xa8: {  	s4 =	sshll.u32 s28, $0x1;
	[dreg:$0x2] =	wrdreg s2  }
0xa9: {  	[dreg:$0x3] =	wrdreg s4  }
0xaa: {  	[dreg:$0x4] =	wrdreg $0xC0  }
0xab: {  	_ =	task [dreg:s6], $0x5FFFF  }
0xac: {  	[dreg:$0x1] =	wrdreg $0xFFFFFFFF  }
0xad: {  	[dreg:$0x0] =	wrdreg $0x60  }
0xae: {  	[dreg:$0x2] =	wrdreg s24  }
0xaf: {  	[dreg:$0x3] =	wrdreg $0x9  }
0xb0: {  	_ =	task.clear_ibuf [dreg:s6], $0x4FFFF;
	_ =	strace $0x90000049  }
0xb1: {  	s29 =	simm.s32 $0x9;
	_ =	strace $0x8000004B  }
0xb2: {  	_ =	swait.ge [sflag:s29], $0x1  }
0xb3: {  	[sflag:s29] =	ssyncadd.s32 $0xFFFFFFFF  }
0xb4: {  	_ =	strace $0x9000004B  }
0xb5: {  	_ =	sfence  }
0xb6: {  	s30 =	sld [smem:$0x0];
	_ =	sdelay $0x2  }
0xb7: {  	s31 =	sshll.u32 s1, $0xD;
	s1 =	sshrl.u32 s1, $0x2  }
0xb8: {  	s3 =	sand.u32 $0x4000, s31;
	s1 =	sadd.s32 s1, s30  }
0xb9: {  	s0 =	sor.u32 s3, s0;
	s1 =	sshll.u32 s1, $0x11  }
0xba: {  	s0 =	sor.u32 s1, s0  }
0xbb: {  	s0 =	sadd.s32 $0x8F2B, s0  }
0xbc: {  	[sflag:s0] =	ssyncadd.remote.s32 $0x1  }
0xbd: {  	_ =	sfence.sel $0xFFFF  }
0xbe: {  	[dreg:$0x0] =	wrdreg $0xFFFFFFFF;
	(pc) =	sbr.abs _section_cstart, $3  }
0xbf: {  	[dreg:$0x1] =	wrdreg $0xFFFFFFFF  }
0xc0: {  	_ =	task.clear_ibuf [dreg:s6], $0x2FFFF;
	_ =	strace $0x9FFFFFFF  }
0xc1: {  	(tm) =	ssettm $0x7FFFFFFF  }
tec
execute0_lowered:
.L_overlay_start_1:
0x0: {  	(tag) =	ssettag $0x1  }
0x1: {  	s4 =	rddreg [dreg:$0x0]  }
0x2: {  	s0 =	rddreg [dreg:$0x1];
	s2 =	simm.s32 $0x0;
	s1 =	stileid.u32  }
0x3: {  	s3 =	srdreg.scid;
	s11 =	simm.s32 $0x100;
	s12 =	simm.s32 $0x8200  }
0x4: {  	s13 =	simm.s32 $0x180;
	s14 =	simm.s32 $0xC200;
	s15 =	simm.s32 $0x1  }
0x5: {  	s16 =	simm.s32 $0x2;
	s17 =	simm.s32 $0x0;
	s5 =	smul.u32 $0x6800, s1  }
0x6: {  	[smem:$0x7FF] =	sst s2;
	s6 =	smul.u32 $0x340000, s1;
	s7 =	sand.u32 $0x1, s3  }
0x7: {  	s3 =	sadd.s32 $0x2C00, s4;
	s8 =	ssub.s32 $0x2, s7;
	s9 =	smul.u32 $0x3400, s7  }
0x8: {  	_ =	strace $0x8000004A;
	s7 =	smul.u32 $0x1A0000, s7;
	s10 =	sshrl.u32 s8, $0x1  }
0x9: {  	s5 =	sadd.s32 s5, s4;
	s6 =	sadd.s32 s6, s4;
	s31 =	ssub.s32 s8, s10  }
0xa: {  	s5 =	sadd.s32 s9, s5;
	s6 =	sadd.s32 s7, s6;
	s7 =	simm.s32 $0x3  }
0xb: {  	s8 =	simm.s32 $0x80;
	s9 =	simm.s32 $0x200;
	s10 =	simm.s32 $0x4200  }
0xc: {  	s4 =	smax.u32 s31, $0x1;
	s5 =	sadd.s32 $0x2E2F000, s5;
	s6 =	sadd.s32 $0x2E97000, s6  }
.LBB2_1:
0xd: {  	[tilespmem:s2], [sflag:$0x3] =	stream.linear.gather [hbm4b:s5+s2], $0x200, $0x38;
	[tilespmem:$0x10200] =	vst v63  }
0xe: {  	_ =	swait.ge [sflag:s7], $0x200  }
0xf: {  	[sflag:s7] =	ssyncset.done $0x0  }
0x10: {  	[sflag:s7] =	ssyncadd.s32 $0xFFFFFE00  }
0x11: {  	[tilespmem:s9], [sflag:$0x1] =	stream.indirect.gather [hbm4b:s3+s8], $0x10, s2, s8, $0xb8;
	[tilespmem:$0x10200] =	vst v63  }
0x12: {  	_ = 	snop  }
0x13: {  	[tilespmem:s10], [sflag:$0x1] =	stream.indirect.gather [hbm4b:s3+s8], $0x10, s8, s8, $0xb8;
	[tilespmem:$0x10200] =	vst v63  }
0x14: {  	_ = 	snop  }
0x15: {  	[tilespmem:s12], [sflag:$0x1] =	stream.indirect.gather [hbm4b:s3+s8], $0x10, s11, s8, $0xb8;
	[tilespmem:$0x10200] =	vst v63  }
0x16: {  	_ = 	snop  }
0x17: {  	[tilespmem:s14], [sflag:$0x1] =	stream.indirect.gather [hbm4b:s3+s8], $0x10, s13, s8, $0xb8;
	[tilespmem:$0x10200] =	vst v63  }
0x18: {  	_ =	swait.ge [sflag:s15], $0x800  }
0x19: {  	[sflag:s15] =	ssyncset.done $0x0  }
0x1a: {  	s18 =	sadd.s32 $0x0, s6;
	[sflag:s15] =	ssyncadd.s32 $0xFFFFF800  }
0x1b: {  	[hbm4b:s18+s2] =	stream.linear.scatter [tilespmem:s9], [sflag:$0x2], $0x4000, $0x38;
	[tilespmem:$0x10200] =	vst v63  }
0x1c: {  	_ =	swait.ge [sflag:s15], $0x800  }
0x1d: {  	[sflag:s15] =	ssyncset.done $0x0  }
0x1e: {  	s19 =	sadd.s32 $0x800, s18;
	[sflag:s15] =	ssyncadd.s32 $0xFFFFF800  }
0x1f: {  	[hbm4b:s19+s2] =	stream.linear.scatter [tilespmem:s10], [sflag:$0x2], $0x4000, $0x38;
	[tilespmem:$0x10200] =	vst v63  }
0x20: {  	_ =	swait.ge [sflag:s15], $0x800  }
0x21: {  	[sflag:s15] =	ssyncset.done $0x0  }
0x22: {  	s31 =	sadd.s32 $0x1000, s18;
	[sflag:s15] =	ssyncadd.s32 $0xFFFFF800  }
0x23: {  	[hbm4b:s31+s2] =	stream.linear.scatter [tilespmem:s12], [sflag:$0x2], $0x4000, $0x38;
	[tilespmem:$0x10200] =	vst v63  }
0x24: {  	_ =	swait.ge [sflag:s15], $0x800  }
0x25: {  	[sflag:s15] =	ssyncset.done $0x0  }
0x26: {  	s18 =	sadd.s32 $0x1800, s18;
	[sflag:s15] =	ssyncadd.s32 $0xFFFFF800  }
0x27: {  	[hbm4b:s18+s2] =	stream.linear.scatter [tilespmem:s14], [sflag:$0x2], $0x4000, $0x38;
	[tilespmem:$0x10200] =	vst v63  }
0x28: {  	_ =	swait.ge [sflag:s16], $0x4000  }
0x29: {  	[sflag:s16] =	ssyncset.done $0x0  }
0x2a: {  	[sflag:s16] =	ssyncadd.s32 $0xFFFFC000  }
0x2b: {  	_ =	swait.ge [sflag:s16], $0x4000  }
0x2c: {  	[sflag:s16] =	ssyncset.done $0x0  }
0x2d: {  	[sflag:s16] =	ssyncadd.s32 $0xFFFFC000  }
0x2e: {  	_ =	swait.ge [sflag:s16], $0x4000  }
0x2f: {  	[sflag:s16] =	ssyncset.done $0x0  }
0x30: {  	[sflag:s16] =	ssyncadd.s32 $0xFFFFC000  }
0x31: {  	_ =	swait.ge [sflag:s16], $0x4000  }
0x32: {  	s19 =	smov.u32 s5;
	s18 =	simm.s32 $0x2000;
	[sflag:s16] =	ssyncset.done $0x0  }
.LBB2_2:
0x33: {  	p0 =	sne.s32 s18, $0x19E000;
	[sflag:s16] =	ssyncadd.s32 $0xFFFFC000;
	s19 =	sadd.s32 $0x40, s19  }
0x34: {  	[tilespmem:s2], [sflag:$0x3] =	stream.linear.gather [hbm4b:s19+s2], $0x200, $0x38;
	[tilespmem:$0x10200] =	vst v63  }
0x35: {  	s20 =	smov.u32 s18;
	s18 =	sadd.s32 $0x2000, s18;
	_ =	swait.ge [sflag:s7], $0x200  }
0x36: {  	[sflag:s7] =	ssyncset.done $0x0  }
0x37: {  	[sflag:s7] =	ssyncadd.s32 $0xFFFFFE00  }
0x38: {  	[tilespmem:s9], [sflag:$0x1] =	stream.indirect.gather [hbm4b:s3+s8], $0x10, s2, s8, $0xb8;
	[tilespmem:$0x10200] =	vst v63  }
0x39: {  	_ = 	snop  }
0x3a: {  	[tilespmem:s10], [sflag:$0x1] =	stream.indirect.gather [hbm4b:s3+s8], $0x10, s8, s8, $0xb8;
	[tilespmem:$0x10200] =	vst v63  }
0x3b: {  	_ = 	snop  }
0x3c: {  	[tilespmem:s12], [sflag:$0x1] =	stream.indirect.gather [hbm4b:s3+s8], $0x10, s11, s8, $0xb8;
	[tilespmem:$0x10200] =	vst v63  }
0x3d: {  	_ = 	snop  }
0x3e: {  	[tilespmem:s14], [sflag:$0x1] =	stream.indirect.gather [hbm4b:s3+s8], $0x10, s13, s8, $0xb8;
	[tilespmem:$0x10200] =	vst v63  }
0x3f: {  	_ =	swait.ge [sflag:s15], $0x800  }
0x40: {  	[sflag:s15] =	ssyncset.done $0x0  }
0x41: {  	s20 =	sadd.s32 s20, s6;
	[sflag:s15] =	ssyncadd.s32 $0xFFFFF800  }
0x42: {  	[hbm4b:s20+s2] =	stream.linear.scatter [tilespmem:s9], [sflag:$0x2], $0x4000, $0x38;
	[tilespmem:$0x10200] =	vst v63  }
0x43: {  	_ =	swait.ge [sflag:s15], $0x800  }
0x44: {  	[sflag:s15] =	ssyncset.done $0x0  }
0x45: {  	s21 =	sadd.s32 $0x800, s20;
	[sflag:s15] =	ssyncadd.s32 $0xFFFFF800  }
0x46: {  	[hbm4b:s21+s2] =	stream.linear.scatter [tilespmem:s10], [sflag:$0x2], $0x4000, $0x38;
	[tilespmem:$0x10200] =	vst v63  }
0x47: {  	_ =	swait.ge [sflag:s15], $0x800  }
0x48: {  	[sflag:s15] =	ssyncset.done $0x0  }
0x49: {  	s21 =	sadd.s32 $0x1000, s20;
	[sflag:s15] =	ssyncadd.s32 $0xFFFFF800  }
0x4a: {  	[hbm4b:s21+s2] =	stream.linear.scatter [tilespmem:s12], [sflag:$0x2], $0x4000, $0x38;
	[tilespmem:$0x10200] =	vst v63  }
0x4b: {  	_ =	swait.ge [sflag:s15], $0x800  }
0x4c: {  	[sflag:s15] =	ssyncset.done $0x0  }
0x4d: {  	s20 =	sadd.s32 $0x1800, s20;
	[sflag:s15] =	ssyncadd.s32 $0xFFFFF800  }
0x4e: {  	[hbm4b:s20+s2] =	stream.linear.scatter [tilespmem:s14], [sflag:$0x2], $0x4000, $0x38;
	[tilespmem:$0x10200] =	vst v63  }
0x4f: {  	_ =	swait.ge [sflag:s16], $0x4000  }
0x50: {  	[sflag:s16] =	ssyncset.done $0x0  }
0x51: {  	[sflag:s16] =	ssyncadd.s32 $0xFFFFC000  }
0x52: {  	_ =	swait.ge [sflag:s16], $0x4000  }
0x53: {  	[sflag:s16] =	ssyncset.done $0x0  }
0x54: {  	[sflag:s16] =	ssyncadd.s32 $0xFFFFC000  }
.Ltmp0:
0x55: {  	_ =	swait.ge [sflag:s16], $0x4000;
	(pc) =	sbr.rel @p0 .LBB2_2-.Ltmp0, $4  }
0x56: {  	[sflag:s16] =	ssyncset.done $0x0  }
0x57: {  	[sflag:s16] =	ssyncadd.s32 $0xFFFFC000  }
0x58: {  	_ =	swait.ge [sflag:s16], $0x4000  }
0x59: {  	[sflag:s16] =	ssyncset.done $0x0  }
0x5a: {  	s17 =	sadd.s32 $0x1, s17  }
0x5b: {  	p0 =	sne.s32 s17, s4  }
.Ltmp1:
0x5c: {  	_ = 	snop;
	(pc) =	sbr.rel @p0 .LBB2_1-.Ltmp1, $2  }
0x5d: {  	_ =	sdelay $0x2  }
0x5e: {  	[sflag:s16] =	ssyncadd.s32 $0xFFFFC000  }
0x5f: {  	_ =	sfence.sel $0x180000  }
0x60: {  	[bflag:$0x0] =	sbarrier.arrive $0xFFFF  }
0x61: {  	p0 =	sne.s32 s1, $0x0;
	_ =	strace $0x9000004A  }
0x62: {  	s0 =	sadd.s32 @!p0 $0x100000, s0;
	[bflag:$0x2] =	sbarrier.arrive $0xFFFF  }
0x63: {  	[sflag:s0] =	ssyncadd.tile.s32 @!p0 $0x1;
	_ =	shalt  }
.Lfunc_end2:
_tile_overlayer_lowered:
.L_overlay_start_2:
0x64: {  	(tag) =	ssettag $0x2  }
0x65: {  	s0 =	rddreg [dreg:$0x0];
	s2 =	stileid.u32  }
0x66: {  	s1 =	rddreg [dreg:$0x1];
	p0 =	sne.s32 s2, $0x0  }
0x67: {  	s3 =	rddreg [dreg:$0x2];
	[bflag:$0x3] =	sbarrier.arrive $0xFFFF;
	s2 =	simm.s32 @!p0 $0x1C03  }
0x68: {  	[timem:s3], [sflag:s2] =	dma.local @!p0 [hbm:s0], s1  }
0x69: {  	s0 =	simm.s32 @!p0 $0x3  }
0x6a: {  	_ =	swait.ge @!p0 [sflag:s0], s1  }
0x6b: {  	s1 =	ssub.s32 @!p0 $0x0, s1;
	[sflag:s0] =	ssyncset.done @!p0 $0x0  }
0x6c: {  	[sflag:s0] =	ssyncadd.s32 @!p0 s1  }
0x6d: {  	[bflag:$0x3] =	sbarrier.arrive $0xFFFF  }
0x6e: {  	_ =	shalt  }

// kernel: sparse-core-data-format-call.cloned.1.call-start
scs
called_computation_lowered:
.L_overlay_start_0:
0x0: {  	s2 =	sld [smem:$0x3FD9]  }
0x1: {  	s3 =	sld [smem:$0x3FFE];
	_ =	sdelay $0x1  }
0x2: {  	s1 =	srdreg.scid  }
0x3: {  	s0 =	sand.u32 $0x1, s1  }
0x4: {  	s18 =	sshll.u32 s0, $0xA;
	s2 =	sadd.s32 s3, s2  }
0x5: {  	s2 =	sadd.s32 s2, s18  }
0x6: {  	[smem:$0x3FB9] =	sst s2  }
0x7: {  	_ = 	snop  }
0x8: {  	s2 =	sld [smem:$0x3FC7];
	(tm) =	ssettm $0x1  }
0x9: {  	s19 =	sld [smem:$0x3FFB];
	_ =	sdelay $0x3  }
0xa: {  	_ =	strace s19  }
0xb: {  	s3 =	sld [smem:$0x3FFC];
	_ =	sdelay $0x3  }
0xc: {  	_ =	strace s3  }
0xd: {  	s3 =	sld [smem:$0x3FFD];
	_ =	sdelay $0x3  }
0xe: {  	_ =	strace s3  }
0xf: {  	_ =	strace $0x8FFFFFFF  }
0x10: {  	s20 =	sld [smem:$0x3FDB];
	_ =	sdelay $0x1  }
0x11: {  	s4 =	simm.s32 $_scs_section_size  }
0x12: {  	s5 =	simm.s32 $_size__tile_overlayer_lowered;
	s6 =	simm.s32 $_tile_overlayer_lowered  }
0x13: {  	s23 =	simm.s32 $0x1BFF;
	s22 =	sshll.u32 s6, $0x1;
	s3 =	sadd.s32 s4, s20  }
0x14: {  	s7 =	simm.s32 $0x0;
	s21 =	sshll.u32 s5, $0x1;
	s5 =	sadd.s32 s22, s3  }
0x15: {  	[timem:s7], [sflag:s23] =	dma.local [hbm:s5], s21  }
0x16: {  	_ =	swait.ge [sflag:s23], s21  }
0x17: {  	s4 =	ssub.s32 $0x0, s21;
	[sflag:s23] =	ssyncset.done $0x0  }
0x18: {  	[sflag:s23] =	ssyncadd.s32 s4;
	_ =	sdelay $0x1  }
0x19: {  	s24 =	simm.s32 $0x1B8B  }
0x1a: {  	_ =	swait.ge [sflag:s24], $0x1  }
0x1b: {  	[sflag:s24] =	ssyncset.done $0x0  }
0x1c: {  	s26 =	simm.s32 $0x1B8E;
	s25 =	sld [smem:$0x3FFE];
	[sflag:s24] =	ssyncadd.s32 $0xFFFFFFFF  }
0x1d: {  	s27 =	simm.s32 $execute0_lowered;
	[smem:$0x3FD2] =	sst s26  }
0x1e: {  	s5 =	sshll.u32 s27, $0x1;
	_ =	strace $0x80000046;
	[dreg:$0x1] =	wrdreg $0xFFFFFFFF  }
0x1f: {  	s28 =	simm.s32 $_size_execute0_lowered;
	s3 =	sadd.s32 s3, s5;
	[dreg:$0x0] =	wrdreg $0x0  }
0x20: {  	s5 =	sshll.u32 s28, $0x1;
	[dreg:$0x2] =	wrdreg s3  }
0x21: {  	[dreg:$0x3] =	wrdreg s5  }
0x22: {  	[dreg:$0x4] =	wrdreg $0xC0  }
0x23: {  	_ =	task [dreg:s7], $0x5FFFF  }
0x24: {  	[dreg:$0x1] =	wrdreg $0xFFFFFFFF  }
0x25: {  	[dreg:$0x0] =	wrdreg $0x60  }
0x26: {  	[dreg:$0x2] =	wrdreg s2  }
0x27: {  	[dreg:$0x3] =	wrdreg s25  }
0x28: {  	[dreg:$0x4] =	wrdreg $0x9  }
0x29: {  	_ =	task.clear_ibuf [dreg:s7], $0x5FFFF;
	_ =	strace $0x90000046  }
0x2a: {  	s29 =	simm.s32 $0x9;
	_ =	strace $0x80000048  }
0x2b: {  	_ =	swait.ge [sflag:s29], $0x1  }
0x2c: {  	[sflag:s29] =	ssyncadd.s32 $0xFFFFFFFF  }
0x2d: {  	_ =	strace $0x90000048  }
0x2e: {  	_ =	sfence  }
0x2f: {  	s30 =	sld [smem:$0x0];
	_ =	sdelay $0x2  }
0x30: {  	s31 =	sshll.u32 s1, $0xD;
	s1 =	sshrl.u32 s1, $0x2  }
0x31: {  	s3 =	sand.u32 $0x4000, s31;
	s1 =	sadd.s32 s1, s30  }
0x32: {  	s0 =	sor.u32 s3, s0;
	s1 =	sshll.u32 s1, $0x11  }
0x33: {  	s0 =	sor.u32 s1, s0  }
0x34: {  	s0 =	sadd.s32 $0x8F2B, s0  }
0x35: {  	[sflag:s0] =	ssyncadd.remote.s32 $0x1  }
0x36: {  	_ =	sfence.sel $0xFFFF  }
0x37: {  	[dreg:$0x0] =	wrdreg $0xFFFFFFFF;
	(pc) =	sbr.abs _section_cstart, $3  }
0x38: {  	[dreg:$0x1] =	wrdreg $0xFFFFFFFF  }
0x39: {  	_ =	task.clear_ibuf [dreg:s7], $0x2FFFF;
	_ =	strace $0x9FFFFFFF  }
0x3a: {  	(tm) =	ssettm $0x7FFFFFFF  }
0x3b: {  	_ =	shalt  }
tec
execute0_lowered:
.L_overlay_start_1:
0x0: {  	(tag) =	ssettag $0x1  }
0x1: {  	s2 =	rddreg [dreg:$0x0]  }
0x2: {  	s0 =	srdreg.scid;
	s5 =	rddreg [dreg:$0x1]  }
0x3: {  	s31 =	simm.s32 $0x2;
	s16 =	simm.s32 $0x0;
	p0 =	por $0x0, $0x0  }
0x4: {  	s8 =	simm.s32 $0x80;
	s17 =	simm.s32 $0x0;
	s1 =	sshll.u32 s0, $0x4  }
0x5: {  	s18 =	simm.s32 $0x0;
	s0 =	stileid.u32;
	s1 =	sand.u32 $0x10, s1  }
0x6: {  	s9 =	simm.s32 $0x0;
	s10 =	simm.s32 $0x0;
	s1 =	sor.u32 s0, s1  }
0x7: {  	s11 =	simm.s32 $0x0;
	s13 =	simm.s32 $0x0;
	s3 =	sshll.u32 s1, $0x8  }
.Ltmp0:
0x8: {  	s14 =	simm.s32 $0x0;
	s4 =	ssub.s32 $0x18600, s3;
	(pc) =	sbr.rel .LBB1_1-.Ltmp0, $4  }
0x9: {  	s15 =	simm.s32 $0x0;
	s1 =	rddreg [dreg:$0x2];
	s6 =	sshrl.u32 s4, $0xD  }
0xa: {  	_ =	strace $0x80000047;
	s4 =	simm.s32 $0x1;
	s7 =	smul.u32 $0x1A, s6  }
0xb: {  	s5 =	sadd.s32 $0x2C00, s5;
	s12 =	smov.u32 s3;
	[sflag:s4] =	ssyncpa.u1 $0x0  }
0xc: {  	[sflag:s31] =	ssyncpa.u1 $0x0;
	s6 =	sadd.s32 $0x1A, s7;
	s7 =	sadd.s32 $0x1B, s7  }
.LBB1_5:
0xd: {  	p1 =	slt.u32 s15, $0x2  }
0xe: {  	s19 =	smov.u32 s18;
	p2 =	sgt.s32 @!p1 s18, $0x19  }
0xf: {  	s20 =	sshra.s32 @!p1 s18, $0x1F;
	p3 =	sgt.s32 @!p1 s16, $0x185A0;
	p4 =	sgt.s32 @!p1 s17, $0x70  }
0x10: {  	s21 =	sshra.s32 @!p1 s17, $0x1F;
	p2 =	por !p2, p1;
	s18 =	sand.u32 @!p1 s20, s18  }
0x11: {  	p4 =	por !p4, p1;
	s20 =	smov.u32 s17;
	s19 =	simm.s32 @p2 $0x19  }
0x12: {  	s17 =	sand.u32 @!p1 s21, s17;
	s20 =	simm.s32 @p4 $0x70;
	s18 =	ssub.s32 @!p1 s19, s18  }
0x13: {  	p3 =	por !p3, p1;
	s17 =	ssub.s32 @!p1 s20, s17;
	s19 =	sadd.s32 @!p1 $0xFFFFFFE7, s18  }
0x14: {  	s20 =	sshra.s32 @!p1 s16, $0x1F;
	s18 =	ssub.s32 @!p1 $0x1A, s18;
	p2 =	sgt.s32 @!p1 s19, $0x0  }
0x15: {  	s19 =	smov.u32 s16;
	s16 =	sand.u32 @!p1 s20, s16;
	s20 =	sadd.s32 @!p1 $0xFFFFFF90, s17  }
0x16: {  	s17 =	ssub.s32 @!p1 $0x80, s17;
	s19 =	simm.s32 @p3 $0x185A0;
	p2 =	por !p2, p1  }
0x17: {  	s18 =	simm.s32 @!p2 $0x0;
	s16 =	ssub.s32 @!p1 s19, s16;
	p2 =	sgt.s32 @!p1 s20, $0xF  }
0x18: {  	s20 =	smov.u32 s13;
	s19 =	sadd.s32 @!p1 $0xFFFE7A60, s16;
	p2 =	por !p2, p1  }
0x19: {  	s16 =	ssub.s32 @!p1 $0x186A0, s16;
	s17 =	simm.s32 @!p2 $0x0;
	p2 =	sgt.s32 @!p1 s19, $0xFF  }
0x1a: {  	s19 =	sadd.s32 $0x2000, s12;
	p2 =	por !p2, p1;
	s17 =	smul.u32 @!p1 s18, s17  }
0x1b: {  	s18 =	sadd.s32 $0x10, s13;
	s16 =	simm.s32 @!p2 $0x0;
	p2 =	sgt.s32 s19, $0x1869F  }
0x1c: {  	s16 =	smul.u32 @!p1 s16, s17;
	s20 =	smov.u32 @p2 s18  }
0x1d: {  	s19 =	smov.u32 @p2 s3;
	s17 =	simm.s32 $0x1;
	p2 =	sgt.s32 s20, $0xF  }
0x1e: {  	s17 =	simm.s32 @!p2 $0x0  }
0x1f: {  	p0 =	por !p0, !p0;
	s23 =	sadd.s32 s17, s14  }
0x20: {  	s21 =	simm.s32 @!p1 $0x2;
	s20 =	simm.s32 @p2 $0x0;
	p2 =	sgt.s32 s23, $0x19  }
0x21: {  	s18 =	smov.u32 s11;
	s23 =	simm.s32 @p2 $0x0;
	p2 =	sne.s32 s15, s7  }
.Ltmp1:
0x22: {  	s11 =	smov.u32 s14;
	s16 =	sand.u32 @!p1 $0x3FFFFFFF, s16;
	(pc) =	sbr.rel @!p2 .LBB1_6-.Ltmp1, $4  }
0x23: {  	_ =	swait.ge @!p1 [sflag:s21], s16;
	s22 =	ssub.s32 @!p1 $0x0, s16;
	s16 =	smov.u32 s9  }
0x24: {  	s17 =	smov.u32 s10;
	s9 =	smov.u32 s12;
	s10 =	smov.u32 s13  }
0x25: {  	s12 =	smov.u32 s19;
	s13 =	smov.u32 s20;
	[sflag:s21] =	ssyncset.done @!p1 $0x0  }
0x26: {  	s15 =	sadd.s32 $0x1, s15;
	[sflag:s21] =	ssyncadd.s32 @!p1 s22;
	s14 =	smov.u32 s23  }
.LBB1_1:
0x27: {  	p1 =	sge.u32 s15, s6  }
0x28: {  	s19 =	sshrl.u32 @!p1 s13, $0x3  }
0x29: {  	s20 =	sshll.u32 @!p1 s12, $0x3;
	s19 =	smul.u32 @!p1 $0xC3800, s19  }
0x2a: {  	s21 =	sshll.u32 @!p1 s13, $0x7;
	s20 =	sand.u32 @!p1 $0xFFFFFC00, s20  }
0x2b: {  	s19 =	sadd.s32 @!p1 s19, s20;
	s20 =	sand.u32 @!p1 $0x380, s21  }
0x2c: {  	s21 =	sand.u32 @!p1 $0x7F, s12;
	s19 =	sor.u32 @!p1 s20, s19  }
0x2d: {  	s20 =	sor.u32 @!p1 s21, s19  }
0x2e: {  	s21 =	smulhi.u32 @!p1 $0xA79C7B17, s20  }
0x2f: {  	s19 =	smulhi.u32 @!p1 $0xA79C7B17, s19  }
0x30: {  	s21 =	sshrl.u32 @!p1 s21, $0x10  }
0x31: {  	s19 =	sshrl.u32 @!p1 s19, $0x10;
	s21 =	smul.u32 @!p1 $0x18700, s21  }
0x32: {  	s22 =	sxor.u32 @!p1 $0xFFFFFFFF, s15;
	s23 =	smul.u32 @!p1 $0x30E00, s14;
	s19 =	sand.u32 @!p1 $0xF, s19  }
0x33: {  	s22 =	sshll.u32 @!p1 s22, $0xC;
	s19 =	smul.u32 @!p1 $0x30E0, s19;
	s20 =	ssub.s32 @!p1 s20, s21  }
0x34: {  	s21 =	sand.u32 @!p1 $0x1000, s22;
	s22 =	sadd.s32 @!p1 s2, s23;
	s23 =	sand.u32 @!p1 $0x7, s20  }
0x35: {  	s20 =	sshrl.u32 @!p1 s20, $0x3;
	s19 =	sadd.s32 @!p1 s19, s22;
	s22 =	sshll.u32 @!p1 s23, $0x12  }
0x36: {  	s19 =	sadd.s32 @!p1 s20, s19;
	s20 =	sor.u32 @!p1 $0x800, s22;
	s22 =	simm.s32 @!p1 $0xC3800  }
0x37: {  	[tilespmem:s21], [sflag:$0x1] =	stream.strided.gather @!p1 [hbm4b:s19+s20], $0x1000, s22, s20, $0x38;
	[tilespmem:$0x4200] =	vst v63  }
0x38: {  	p1 =	seq.s32 s15, $0x0  }
0x39: {  	p2 =	sge.u32 @!p1 s15, s7  }
0x3a: {  	p1 =	por p1, p2  }
.Ltmp2:
0x3b: {  	_ = 	snop;
	(pc) =	sbr.rel @p1 .LBB1_5-.Ltmp2, $1  }
0x3c: {  	_ =	sdelay $0x3  }
0x3d: {  	s21 =	simm.s32 $0x0  }
0x3e: {  	s22 =	sand.u32 $0x800, s21;
	s23 =	sand.u32 $0x380, s21  }
0x3f: {  	s19 =	sand.u32 $0x1, s15;
	s23 =	sor.u32 s23, s22  }
0x40: {  	_ =	swait.ge [sflag:s4], $0x1000;
	s20 =	sshll.u32 s19, $0xC;
	s22 =	sand.u32 $0xB00, s23  }
0x41: {  	[sflag:s4] =	ssyncset.done $0x0;
	s21 =	sand.u32 $0x80, s21;
	s22 =	sadd.s32 s22, s20  }
0x42: {  	[sflag:s4] =	ssyncadd.s32 $0xFFFFF000;
	s25 =	sadd.s32 s21, s22  }
0x43: {  	v4 =	vld [tilespmem:s25+$0x400]  }
0x44: {  	s24 =	simm.s32 $0x1;
	v5 =	vld [tilespmem:s25+$0x0]  }
0x45: {  	s24 =	simm.s32 @!p0 $0x0;
	v6 =	vld [tilespmem:s25+$0x10]  }
0x46: {  	v0 =	vmov s20;
	s31 =	smul.u32 $0x4400, s24;
	v7 =	vld [tilespmem:s25+$0x20]  }
0x47: {  	v9 =	vld [tilespmem:s25+$0x30]  }
0x48: {  	s21 =	sshrl.u32 s31, $0x2;
	v10 =	vld [tilespmem:s25+$0x40]  }
0x49: {  	s21 =	sor.u32 $0x2000, s21;
	v11 =	vld [tilespmem:s25+$0x50]  }
0x4a: {  	v8 =	vld [tilespmem:s25+$0x60];
	s22 =	sadd.s32 $0x0, s21  }
0x4b: {  	v1 =	vld.idx.msk [tilespmem:v0+s23+$0x410 ss:$0x1], $0xffff;
	[tilespmem:s22+$0x880 ss:$0x11] =	vst.msk $0xffff, v4  }
0x4c: {  	v2 =	vld.idx.msk [tilespmem:v0+s23+$0x420 ss:$0x1], $0xffff;
	[tilespmem:s22+$0x0 ss:$0x11] =	vst.msk $0xffff, v5  }
0x4d: {  	v3 =	vld.idx.msk [tilespmem:v0+s23+$0x430 ss:$0x1], $0xffff;
	[tilespmem:s22+$0x110 ss:$0x11] =	vst.msk $0xffff, v6  }
0x4e: {  	s19 =	smul.u32 $0x4400, s19;
	[tilespmem:s22+$0x220 ss:$0x11] =	vst.msk $0xffff, v7;
	v7 =	vld [tilespmem:s25+$0x70]  }
0x4f: {  	s26 =	simm.s32 $0x80;
	s27 =	simm.s32 $0x8;
	[tilespmem:s22+$0x330 ss:$0x11] =	vst.msk $0xffff, v9;
	v4 =	vld.idx.msk [tilespmem:v0+s23+$0x440 ss:$0x1], $0xffff  }
0x50: {  	s29 =	sand.u32 $0x380, s26;
	s19 =	sshrl.u32 s19, $0x2;
	[tilespmem:s22+$0x440 ss:$0x11] =	vst.msk $0xffff, v10;
	v5 =	vld.idx.msk [tilespmem:v0+s23+$0x450 ss:$0x1], $0xffff;
	s25 =	simm.s32 $0x100  }
0x51: {  	s24 =	simm.s32 $0x4;
	s19 =	sor.u32 $0x2000, s19;
	[tilespmem:s22+$0x550 ss:$0x11] =	vst.msk $0xffff, v11;
	v6 =	vld.idx.msk [tilespmem:v0+s23+$0x460 ss:$0x1], $0xffff;
	s28 =	sand.u32 $0x800, s25  }
.LBB1_3:
0x52: {  	p1 =	sne.s32 s27, $0x3C;
	[tilespmem:s22+$0x660 ss:$0x11] =	vst.msk $0xffff, v8;
	v8 =	vld.idx.msk [tilespmem:v0+s23+$0x470 ss:$0x1], $0xffff;
	s23 =	sor.u32 s29, s28  }
0x53: {  	s28 =	sand.u32 $0xB00, s23;
	v9 =	vld.idx.msk [tilespmem:v0+s23+$0x410 ss:$0x1], $0xffff;
	[tilespmem:s22+$0x770 ss:$0x11] =	vst.msk $0xffff, v7  }
0x54: {  	s29 =	sand.u32 $0x80, s26;
	s28 =	sadd.s32 s28, s20;
	v7 =	vld.idx.msk [tilespmem:v0+s23+$0x420 ss:$0x1], $0xffff;
	[tilespmem:s22+$0x990 ss:$0x11] =	vst.msk $0xffff, v1  }
0x55: {  	s28 =	sadd.s32 s29, s28;
	v10 =	vld.idx.msk [tilespmem:v0+s23+$0x430 ss:$0x1], $0xffff;
	[tilespmem:s22+$0xAA0 ss:$0x11] =	vst.msk $0xffff, v2  }
0x56: {  	v11 =	vld [tilespmem:s28+$0x400];
	[tilespmem:s22+$0xBB0 ss:$0x11] =	vst.msk $0xffff, v3  }
0x57: {  	v12 =	vld [tilespmem:s28+$0x0];
	[tilespmem:s22+$0xCC0 ss:$0x11] =	vst.msk $0xffff, v4  }
0x58: {  	v4 =	vld [tilespmem:s28+$0x10];
	[tilespmem:s22+$0xDD0 ss:$0x11] =	vst.msk $0xffff, v5  }
0x59: {  	s29 =	sshra.s32 s24, $0x2;
	s24 =	smov.u32 s27;
	v1 =	vmov v9;
	v5 =	vld [tilespmem:s28+$0x20];
	[tilespmem:s22+$0xEE0 ss:$0x11] =	vst.msk $0xffff, v6  }
0x5a: {  	v2 =	vmov v7;
	v6 =	vld [tilespmem:s28+$0x30];
	[tilespmem:s22+$0xFF0 ss:$0x11] =	vst.msk $0xffff, v8;
	s22 =	sadd.s32 s29, s21  }
0x5b: {  	v3 =	vmov v10;
	v9 =	vld [tilespmem:s28+$0x40];
	[tilespmem:s22+$0x880 ss:$0x11] =	vst.msk $0xffff, v11  }
0x5c: {  	[tilespmem:s22+$0x0 ss:$0x11] =	vst.msk $0xffff, v12;
	v10 =	vld [tilespmem:s28+$0x50]  }
.Ltmp3:
0x5d: {  	[tilespmem:s22+$0x110 ss:$0x11] =	vst.msk $0xffff, v4;
	v8 =	vld [tilespmem:s28+$0x60];
	(pc) =	sbr.rel @p1 .LBB1_3-.Ltmp3, $4  }
0x5e: {  	[tilespmem:s22+$0x220 ss:$0x11] =	vst.msk $0xffff, v5;
	v7 =	vld [tilespmem:s28+$0x70]  }
0x5f: {  	[tilespmem:s22+$0x330 ss:$0x11] =	vst.msk $0xffff, v6;
	v4 =	vld.idx.msk [tilespmem:v0+s23+$0x440 ss:$0x1], $0xffff  }
0x60: {  	s26 =	sadd.s32 $0x80, s26;
	s25 =	sadd.s32 $0x100, s25;
	[tilespmem:s22+$0x440 ss:$0x11] =	vst.msk $0xffff, v9;
	v5 =	vld.idx.msk [tilespmem:v0+s23+$0x450 ss:$0x1], $0xffff  }
0x61: {  	s27 =	sadd.s32 $0x4, s27;
	s29 =	sand.u32 $0x380, s26;
	s28 =	sand.u32 $0x800, s25;
	[tilespmem:s22+$0x550 ss:$0x11] =	vst.msk $0xffff, v10;
	v6 =	vld.idx.msk [tilespmem:v0+s23+$0x460 ss:$0x1], $0xffff  }
0x62: {  	_ =	sdelay $0x3  }
0x63: {  	s25 =	sor.u32 s29, s28;
	v47 =	vld.idx.msk [tilespmem:v0+s23+$0x470 ss:$0x1], $0xffff  }
0x64: {  	[tilespmem:s22+$0x660 ss:$0x11] =	vst.msk $0xffff, v8;
	v57 =	vld.idx.msk [tilespmem:v0+s25+$0x410 ss:$0x1], $0xffff  }
0x65: {  	[tilespmem:s22+$0x990 ss:$0x11] =	vst.msk $0xffff, v1;
	v58 =	vld.idx.msk [tilespmem:v0+s25+$0x420 ss:$0x1], $0xffff  }
0x66: {  	[tilespmem:s22+$0xAA0 ss:$0x11] =	vst.msk $0xffff, v2;
	v59 =	vld.idx.msk [tilespmem:v0+s25+$0x430 ss:$0x1], $0xffff  }
0x67: {  	[tilespmem:s22+$0xBB0 ss:$0x11] =	vst.msk $0xffff, v3;
	v60 =	vld.idx.msk [tilespmem:v0+s25+$0x440 ss:$0x1], $0xffff  }
0x68: {  	s26 =	sand.u32 $0x80, s26;
	s27 =	sand.u32 $0xB00, s25;
	[tilespmem:s22+$0x770 ss:$0x11] =	vst.msk $0xffff, v7;
	v61 =	vld.idx.msk [tilespmem:v0+s25+$0x450 ss:$0x1], $0xffff  }
0x69: {  	s29 =	sshll.u32 s10, $0x3;
	p1 =	sgt.s32 s11, $0x19;
	v62 =	vld.idx.msk [tilespmem:v0+s25+$0x460 ss:$0x1], $0xffff;
	s20 =	sadd.s32 s27, s20;
	[tilespmem:s22+$0xCC0 ss:$0x11] =	vst.msk $0xffff, v4  }
0x6a: {  	p2 =	sgt.s32 s10, $0x70;
	s31 =	sand.u32 $0xFFFFFC00, s29;
	v63 =	vld.idx.msk [tilespmem:v0+s25+$0x470 ss:$0x1], $0xffff;
	s23 =	sadd.s32 s26, s20;
	[tilespmem:s22+$0xDD0 ss:$0x11] =	vst.msk $0xffff, v5  }
0x6b: {  	s24 =	sshra.s32 s24, $0x2;
	s29 =	sshra.s32 s11, $0x1F;
	s25 =	smul.u32 $0x186A00, s11;
	v48 =	vld [tilespmem:s23+$0x400];
	[tilespmem:s22+$0xEE0 ss:$0x11] =	vst.msk $0xffff, v6  }
0x6c: {  	s26 =	sshll.u32 s9, $0x7;
	s20 =	sadd.s32 s24, s21;
	s24 =	sand.u32 s29, s11;
	v49 =	vld [tilespmem:s23+$0x0];
	[tilespmem:s22+$0xFF0 ss:$0x11] =	vst.msk $0xffff, v47  }
0x6d: {  	s29 =	sshra.s32 s9, $0x1F;
	v50 =	vld [tilespmem:s23+$0x10];
	s30 =	sand.u32 $0xFFFFFC00, s26;
	s28 =	sand.u32 $0x380, s26;
	[tilespmem:s20+$0x990 ss:$0x11] =	vst.msk $0xffff, v57  }
0x6e: {  	v51 =	vld [tilespmem:s23+$0x20];
	s27 =	sadd.s32 s31, s30;
	s22 =	smov.u32 s11;
	s31 =	sshra.s32 s10, $0x1F;
	[tilespmem:s20+$0xAA0 ss:$0x11] =	vst.msk $0xffff, v58  }
0x6f: {  	v52 =	vld [tilespmem:s23+$0x30];
	s21 =	sor.u32 s28, s27;
	s22 =	simm.s32 @!p1 $0x19;
	s28 =	sand.u32 s31, s10;
	[tilespmem:s20+$0xBB0 ss:$0x11] =	vst.msk $0xffff, v59  }
0x70: {  	v53 =	vld [tilespmem:s23+$0x40];
	s27 =	smov.u32 s9;
	[tilespmem:s20+$0xCC0 ss:$0x11] =	vst.msk $0xffff, v60;
	s21 =	sshrl.u32 s21, $0x7;
	s22 =	ssub.s32 s22, s24  }
0x71: {  	v54 =	vld [tilespmem:s23+$0x50];
	[tilespmem:s20+$0xDD0 ss:$0x11] =	vst.msk $0xffff, v61;
	s24 =	smov.u32 s10;
	s26 =	smulhi.u32 $0x14F8B59, s21;
	s30 =	sadd.s32 $0xFFFFFFE7, s22  }
0x72: {  	v55 =	vld [tilespmem:s23+$0x60];
	[tilespmem:s20+$0xEE0 ss:$0x11] =	vst.msk $0xffff, v62;
	s24 =	simm.s32 @!p2 $0x70;
	p2 =	sgt.s32 s9, $0x185A0;
	s22 =	ssub.s32 $0x1A, s22  }
0x73: {  	v56 =	vld [tilespmem:s23+$0x70];
	[tilespmem:s20+$0xFF0 ss:$0x11] =	vst.msk $0xffff, v63;
	p1 =	sgt.s32 s30, $0x0;
	s23 =	ssub.s32 s24, s28;
	s27 =	simm.s32 @!p2 $0x185A0  }
0x74: {  	[tilespmem:s20+$0x880 ss:$0x11] =	vst.msk $0xffff, v48;
	s24 =	sand.u32 s29, s9;
	s28 =	sand.u32 $0x7, s10;
	s26 =	sshrl.u32 s26, $0x9  }
0x75: {  	[tilespmem:s20+$0x0 ss:$0x11] =	vst.msk $0xffff, v49;
	s24 =	ssub.s32 s27, s24;
	s30 =	sadd.s32 $0xFFFFFF90, s23;
	s22 =	simm.s32 @p1 $0x0  }
0x76: {  	[tilespmem:s20+$0x110 ss:$0x11] =	vst.msk $0xffff, v50;
	s23 =	ssub.s32 $0x80, s23;
	s27 =	sshrl.u32 s10, $0x3;
	p1 =	sgt.s32 s30, $0xF  }
0x77: {  	[tilespmem:s20+$0x220 ss:$0x11] =	vst.msk $0xffff, v51;
	s26 =	smul.u32 $0x186A0, s26;
	s31 =	sadd.s32 $0xFFFE7A60, s24;
	s23 =	simm.s32 @p1 $0x0  }
0x78: {  	[tilespmem:s20+$0x330 ss:$0x11] =	vst.msk $0xffff, v52;
	s24 =	ssub.s32 $0x186A0, s24;
	p1 =	sgt.s32 s31, $0xFF;
	s22 =	smul.u32 s22, s23  }
.Ltmp4:
0x79: {  	[tilespmem:s20+$0x440 ss:$0x11] =	vst.msk $0xffff, v53;
	s24 =	simm.s32 @p1 $0x0;
	s21 =	ssub.s32 s21, s26;
	(pc) =	sbr.rel .LBB1_5-.Ltmp4, $4  }
0x7a: {  	[tilespmem:s20+$0x550 ss:$0x11] =	vst.msk $0xffff, v54;
	s23 =	sadd.s32 s5, s25;
	s22 =	smul.u32 s24, s22;
	s24 =	sand.u32 $0xF, s27  }
0x7b: {  	[tilespmem:s20+$0x660 ss:$0x11] =	vst.msk $0xffff, v55;
	s29 =	sshll.u32 s28, $0x12;
	s21 =	sshll.u32 s21, $0x4;
	s23 =	sadd.s32 s24, s23  }
0x7c: {  	[tilespmem:s20+$0x770 ss:$0x11] =	vst.msk $0xffff, v56;
	s31 =	sor.u32 $0x10, s29;
	s30 =	sand.u32 $0x3FFFFFFF, s22;
	s21 =	sadd.s32 s21, s23  }
0x7d: {  	[hbm4b:s21+s31] =	stream.strided.scatter [tilespmem:s19], [sflag:$0x2], s30, s8, s31, $0x8;
	[tilespmem:$0x4200] =	vst v63  }
.LBB1_6:
0x7e: {  	_ =	sfence.sel $0x180000  }
0x7f: {  	s2 =	simm.s32 $0x1;
	[bflag:$0x0] =	sbarrier.arrive $0xFFFF  }
0x80: {  	s31 =	simm.s32 $0x2;
	[sflag:s2] =	ssyncpa.u1 $0x1  }
0x81: {  	[sflag:s31] =	ssyncpa.u1 $0x1  }
0x82: {  	p0 =	sne.s32 s0, $0x0;
	_ =	strace $0x90000047  }
0x83: {  	s0 =	sadd.s32 @!p0 $0x100000, s1;
	[bflag:$0x2] =	sbarrier.arrive $0xFFFF  }
0x84: {  	[sflag:s0] =	ssyncadd.tile.s32 @!p0 $0x1;
	_ =	shalt  }
.Lfunc_end1:
_tile_overlayer_lowered:
.L_overlay_start_2:
0x85: {  	(tag) =	ssettag $0x2  }
0x86: {  	s0 =	rddreg [dreg:$0x0];
	s2 =	stileid.u32  }
0x87: {  	s1 =	rddreg [dreg:$0x1];
	p0 =	sne.s32 s2, $0x0  }
0x88: {  	s3 =	rddreg [dreg:$0x2];
	[bflag:$0x3] =	sbarrier.arrive $0xFFFF;
	s2 =	simm.s32 @!p0 $0x1C01  }
0x89: {  	[timem:s3], [sflag:s2] =	dma.local @!p0 [hbm:s0], s1  }
0x8a: {  	s0 =	simm.s32 @!p0 $0x1  }
0x8b: {  	_ =	swait.ge @!p0 [sflag:s0], s1  }
0x8c: {  	s1 =	ssub.s32 @!p0 $0x0, s1;
	[sflag:s0] =	ssyncset.done @!p0 $0x0  }
0x8d: {  	[sflag:s0] =	ssyncadd.s32 @!p0 s1  }
0x8e: {  	[bflag:$0x3] =	sbarrier.arrive $0xFFFF  }
0x8f: {  	_ =	shalt  }

</sc_bundles>
